<compile_context>
chip_gen: v7x
topology: tpu7x:2x2x1
jax: 0.10.2.dev20260603
libtpu: 0.0.44.dev20260713+nightly
codegen_flags: <defaults>
</compile_context>

<pallas_src>
import functools

import jax
import jax.numpy as jnp
from jax import lax
from jax.experimental import pallas as pl
from jax.experimental.pallas import tpu as pltpu
from jax.experimental.pallas import tpu_sc as plsc

_D = 64
_BT = 128
_PIPE = 4


def _make_gather(n_h: int, n_b: int):
    info = plsc.get_sparse_core_info()
    nc, ns = info.num_cores, info.num_subcores
    nw = nc * ns
    assert n_b == nw * _BT and n_h % _PIPE == 0
    steps = n_h // _PIPE

    mesh = plsc.VectorSubcoreMesh(core_axis_name="c", subcore_axis_name="s")

    @functools.partial(
        pl.kernel,
        mesh=mesh,
        out_type=jax.ShapeDtypeStruct((n_h, _D // 8, nw, 8, _BT), jnp.float32),
        scratch_types=[
            pltpu.VMEM((n_h, _BT), jnp.int32)] + [
            pltpu.VMEM((_BT,), jnp.int32) for _ in range(_PIPE)] + [
            pltpu.VMEM((_BT, _D), jnp.float32) for _ in range(_PIPE)] + [
            pltpu.VMEM((_D // 8, 8, _BT + 1), jnp.float32) for _ in range(_PIPE)] + [
            pltpu.SemaphoreType.DMA for _ in range(2 * _PIPE)],
        compiler_params=pltpu.CompilerParams(
            use_tc_tiling_on_sc=False, needs_layout_passes=False),
    )
    def gather_kernel(xt_hbm, table_hbm, out_hbm, xcol, *bufs):
        idxs = bufs[:_PIPE]
        rows = bufs[_PIPE:2 * _PIPE]
        tiles = bufs[2 * _PIPE:3 * _PIPE]
        sg = bufs[3 * _PIPE:4 * _PIPE]
        sw = bufs[4 * _PIPE:5 * _PIPE]
        bt = lax.axis_index("s") * nc + lax.axis_index("c")

        pltpu.sync_copy(xt_hbm.at[:, pl.ds(bt * _BT, _BT)], xcol)

        def fire(h, k):
            for i in range(_BT // 16):
                s = pl.ds(i * 16, 16)
                idxs[k][s] = ~xcol[h, s]
            pltpu.async_copy(table_hbm.at[idxs[k]], rows[k], sg[k])

        def wait_gather(k):
            pltpu.make_async_copy(table_hbm.at[idxs[k]], rows[k], sg[k]).wait()

        iota16 = lax.iota(jnp.int32, 16)
        dtvs = [(iota16 + d0) >> 3 for d0 in range(0, _D, 16)]
        dsvs = [(iota16 + d0) & 7 for d0 in range(0, _D, 16)]

        def transpose(k):
            @plsc.parallel_loop(0, _BT, 1, unroll=4)
            def bl_body(bl):
                blv = jnp.zeros((16,), jnp.int32) + bl
                vs = [rows[k][bl, pl.ds(d0, 16)] for d0 in range(0, _D, 16)]
                for j in range(_D // 16):
                    plsc.store_scatter(tiles[k], [dtvs[j], dsvs[j], blv],
                                       vs[j])

        def fire_wb(h, k):
            pltpu.async_copy(tiles[k].at[:, :, pl.ds(0, _BT)],
                             out_hbm.at[h, :, bt], sw[k])

        def wait_wb(k):
            pltpu.make_async_copy(tiles[k].at[:, :, pl.ds(0, _BT)],
                                  out_hbm.at[0, :, bt], sw[k]).wait()

        for k in range(_PIPE):
            fire(k, k)

        def step_body(t, carry):
            for k in range(_PIPE):
                h = _PIPE * t + k
                wait_gather(k)

                @pl.when(t > 0)
                def _():
                    wait_wb(k)

                transpose(k)
                fire_wb(h, k)

                @pl.when(t + 1 < steps)
                def _():
                    fire(h + _PIPE, k)

            return carry

        lax.fori_loop(0, steps, step_body, 0)
        for k in range(_PIPE):
            wait_wb(k)

    return gather_kernel


def kernel(x, table):
    b, h = x.shape
    xt = jnp.transpose(x)
    o5 = _make_gather(h, b)(xt, table)
    return o5.transpose(2, 4, 0, 1, 3).reshape(b, h, _D)

# --- scband reference (transcript-rebuilt; emitter-appended) ---
"""Pipeline reference for scband-qamnistoperator-embeddings-45698452029877 (READ-ONLY COPY).

The authoritative reference and input builder live on the scoring server;
editing this copy changes nothing except your own understanding.
"""

import jax, jax.numpy as jnp
import numpy as np

NUM_OPERATOR_TYPES = 100000
D_PROJECTION = 64
BATCH = 4096
HIST_LEN = 200


def setup_inputs(seed: int = 0) -> dict:
    key = jax.random.key(seed)
    k1, k2 = jax.random.split(key)
    # The module computes embedding(-x - 1), so valid inputs x are NEGATIVE:
    # x in [-NUM_OPERATOR_TYPES, -1] maps to indices in [0, NUM_OPERATOR_TYPES-1].
    raw = jax.random.randint(k1, (BATCH, HIST_LEN), 1, NUM_OPERATOR_TYPES + 1, dtype=jnp.int32)
    x = -raw
    # Learned embedding table (nn.Embedding default init ~ N(0, 1)).
    table = jax.random.normal(k2, (NUM_OPERATOR_TYPES, D_PROJECTION), dtype=jnp.float32)
    return {"x": x, "table": table}


def reference(x, table):
    # Faithful translation of: return self.embedding(-x - 1)
    idx = -x - 1
    return jnp.take(table, idx, axis=0)

if __name__ == "__main__":
    import jax
    _d = setup_inputs()
    print(jax.jit(kernel)(*tuple(_d.values())))

</pallas_src>

<mosaic_0001>
#map = affine_map<(d0, d1) -> (0, 0)>
#map1 = affine_map<(d0, d1) -> (0, 0, 0, 0, 0)>
module attributes {stable_mosaic.version = 14 : i64} {
  func.func @gather_kernel(%arg0: i32, %arg1: i32, %arg2: memref<200x4096xi32, #tpu.memory_space<hbm>>, %arg3: memref<100000x64xf32, #tpu.memory_space<hbm>>, %arg4: memref<200x8x32x8x128xf32, #tpu.memory_space<hbm>>, %arg5: memref<200x128xi32, #tpu.memory_space<vmem>>, %arg6: memref<128xi32, #tpu.memory_space<vmem>>, %arg7: memref<128xi32, #tpu.memory_space<vmem>>, %arg8: memref<128xi32, #tpu.memory_space<vmem>>, %arg9: memref<128xi32, #tpu.memory_space<vmem>>, %arg10: memref<128x64xf32, #tpu.memory_space<vmem>>, %arg11: memref<128x64xf32, #tpu.memory_space<vmem>>, %arg12: memref<128x64xf32, #tpu.memory_space<vmem>>, %arg13: memref<128x64xf32, #tpu.memory_space<vmem>>, %arg14: memref<8x8x129xf32, #tpu.memory_space<vmem>>, %arg15: memref<8x8x129xf32, #tpu.memory_space<vmem>>, %arg16: memref<8x8x129xf32, #tpu.memory_space<vmem>>, %arg17: memref<8x8x129xf32, #tpu.memory_space<vmem>>, %arg18: memref<!tpu.dma_semaphore, #tpu.memory_space<semaphore_mem>>, %arg19: memref<!tpu.dma_semaphore, #tpu.memory_space<semaphore_mem>>, %arg20: memref<!tpu.dma_semaphore, #tpu.memory_space<semaphore_mem>>, %arg21: memref<!tpu.dma_semaphore, #tpu.memory_space<semaphore_mem>>, %arg22: memref<!tpu.dma_semaphore, #tpu.memory_space<semaphore_mem>>, %arg23: memref<!tpu.dma_semaphore, #tpu.memory_space<semaphore_mem>>, %arg24: memref<!tpu.dma_semaphore, #tpu.memory_space<semaphore_mem>>, %arg25: memref<!tpu.dma_semaphore, #tpu.memory_space<semaphore_mem>>) attributes {dimension_semantics = [#tpu.dimension_semantics<core_parallel>, #tpu.dimension_semantics<subcore_parallel>], iteration_bounds = array<i64: 2, 16>, scalar_prefetch = 0 : i64, scratch_operands = 21 : i64, tpu.core_type = #tpu.core_type<sc_vector_subcore>, window_params = [{transform_indices = #map}, {transform_indices = #map}, {transform_indices = #map1}]} {
    %mul3A = arith.constant 2 : i32
    %mul3A_0 = arith.muli %arg1, %mul3A : i32
    %add3A = arith.addi %mul3A_0, %arg0 : i32
    %mul3A_1 = arith.constant 128 : i32
    %mul3A_2 = arith.muli %add3A, %mul3A_1 : i32
    "tpu.region"() ({
      %run_scoped3A = tpu.sem_alloc : memref<!tpu.dma_semaphore, #tpu.memory_space<semaphore_mem>>
      %dma_start3A_393 = arith.constant 0 : i32
      %dma_start3A_394 = tpu.memref_slice %arg2[%dma_start3A_393, %mul3A_2] : memref<200x4096xi32, #tpu.memory_space<hbm>> -> memref<200x128xi32, #tpu.memory_space<hbm>>
      %dma_start3A_395 = arith.constant 0 : i32
      %dma_start3A_396 = tpu.memref_slice %arg2[%dma_start3A_395, %mul3A_2] : memref<200x4096xi32, #tpu.memory_space<hbm>> -> memref<200x128xi32, #tpu.memory_space<hbm>>
      tpu.enqueue_dma source(%dma_start3A_396 : memref<200x128xi32, #tpu.memory_space<hbm>>) target(%arg5 : memref<200x128xi32, #tpu.memory_space<vmem>>) target_semaphore(%run_scoped3A : memref<!tpu.dma_semaphore, #tpu.memory_space<semaphore_mem>>)
      %dma_wait3A_397 = arith.constant 0 : i32
      %dma_wait3A_398 = tpu.memref_slice %arg2[%dma_wait3A_397, %mul3A_2] : memref<200x4096xi32, #tpu.memory_space<hbm>> -> memref<200x128xi32, #tpu.memory_space<hbm>>
      %dma_wait3A_399 = arith.constant 0 : i32
      %dma_wait3A_400 = tpu.memref_slice %arg2[%dma_wait3A_399, %mul3A_2] : memref<200x4096xi32, #tpu.memory_space<hbm>> -> memref<200x128xi32, #tpu.memory_space<hbm>>
      tpu.wait_dma2 semaphore(%run_scoped3A : memref<!tpu.dma_semaphore, #tpu.memory_space<semaphore_mem>>) src(%dma_wait3A_400 : memref<200x128xi32, #tpu.memory_space<hbm>>) dst(%arg5 : memref<200x128xi32, #tpu.memory_space<vmem>>)
      tpu.yield
    }) : () -> ()
    %iota3A = tpu.iota {dimensions = array<i32: 0>} : vector<16xi32>
    %add3A_3 = arith.constant 0 : i32
    %add3A_4 = vector.broadcast %add3A_3 : i32 to vector<16xi32>
    %add3A_5 = arith.addi %iota3A, %add3A_4 : vector<16xi32>
    %shift_right_arithmetic3A = arith.constant 3 : i32
    %shift_right_arithmetic3A_6 = vector.broadcast %shift_right_arithmetic3A : i32 to vector<16xi32>
    %shift_right_arithmetic3A_7 = arith.shrsi %add3A_5, %shift_right_arithmetic3A_6 : vector<16xi32>
    %add3A_8 = arith.constant 16 : i32
    %add3A_9 = vector.broadcast %add3A_8 : i32 to vector<16xi32>
    %add3A_10 = arith.addi %iota3A, %add3A_9 : vector<16xi32>
    %shift_right_arithmetic3A_11 = arith.constant 3 : i32
    %shift_right_arithmetic3A_12 = vector.broadcast %shift_right_arithmetic3A_11 : i32 to vector<16xi32>
    %shift_right_arithmetic3A_13 = arith.shrsi %add3A_10, %shift_right_arithmetic3A_12 : vector<16xi32>
    %add3A_14 = arith.constant 32 : i32
    %add3A_15 = vector.broadcast %add3A_14 : i32 to vector<16xi32>
    %add3A_16 = arith.addi %iota3A, %add3A_15 : vector<16xi32>
    %shift_right_arithmetic3A_17 = arith.constant 3 : i32
    %shift_right_arithmetic3A_18 = vector.broadcast %shift_right_arithmetic3A_17 : i32 to vector<16xi32>
    %shift_right_arithmetic3A_19 = arith.shrsi %add3A_16, %shift_right_arithmetic3A_18 : vector<16xi32>
    %add3A_20 = arith.constant 48 : i32
    %add3A_21 = vector.broadcast %add3A_20 : i32 to vector<16xi32>
    %add3A_22 = arith.addi %iota3A, %add3A_21 : vector<16xi32>
    %shift_right_arithmetic3A_23 = arith.constant 3 : i32
    %shift_right_arithmetic3A_24 = vector.broadcast %shift_right_arithmetic3A_23 : i32 to vector<16xi32>
    %shift_right_arithmetic3A_25 = arith.shrsi %add3A_22, %shift_right_arithmetic3A_24 : vector<16xi32>
    %add3A_26 = arith.constant 0 : i32
    %add3A_27 = vector.broadcast %add3A_26 : i32 to vector<16xi32>
    %add3A_28 = arith.addi %iota3A, %add3A_27 : vector<16xi32>
    %and3A = arith.constant 7 : i32
    %and3A_29 = vector.broadcast %and3A : i32 to vector<16xi32>
    %and3A_30 = arith.andi %add3A_28, %and3A_29 : vector<16xi32>
    %add3A_31 = arith.constant 16 : i32
    %add3A_32 = vector.broadcast %add3A_31 : i32 to vector<16xi32>
    %add3A_33 = arith.addi %iota3A, %add3A_32 : vector<16xi32>
    %and3A_34 = arith.constant 7 : i32
    %and3A_35 = vector.broadcast %and3A_34 : i32 to vector<16xi32>
    %and3A_36 = arith.andi %add3A_33, %and3A_35 : vector<16xi32>
    %add3A_37 = arith.constant 32 : i32
    %add3A_38 = vector.broadcast %add3A_37 : i32 to vector<16xi32>
    %add3A_39 = arith.addi %iota3A, %add3A_38 : vector<16xi32>
    %and3A_40 = arith.constant 7 : i32
    %and3A_41 = vector.broadcast %and3A_40 : i32 to vector<16xi32>
    %and3A_42 = arith.andi %add3A_39, %and3A_41 : vector<16xi32>
    %add3A_43 = arith.constant 48 : i32
    %add3A_44 = vector.broadcast %add3A_43 : i32 to vector<16xi32>
    %add3A_45 = arith.addi %iota3A, %add3A_44 : vector<16xi32>
    %and3A_46 = arith.constant 7 : i32
    %and3A_47 = vector.broadcast %and3A_46 : i32 to vector<16xi32>
    %and3A_48 = arith.andi %add3A_45, %and3A_47 : vector<16xi32>
    %get3A = arith.constant 0 : i32
    %get3A_49 = arith.index_cast %get3A : i32 to index
    %get3A_50 = arith.constant 0 : index
    %get3A_51 = tpu.vector_load %arg5[%get3A_49, %get3A_50] {strides = array<i32>} : memref<200x128xi32, #tpu.memory_space<vmem>>, vector<16xi32>,
    %not3A = arith.constant dense<-1> : vector<16xi32>
    %not3A_52 = arith.xori %get3A_51, %not3A : vector<16xi32>
    %swap3A = arith.constant 0 : index
    %swap3A_53 = tpu.vector_load %arg6[%swap3A] {strides = array<i32>} : memref<128xi32, #tpu.memory_space<vmem>>, vector<16xi32>,
    tpu.vector_store %arg6[%swap3A], %not3A_52 {strides = array<i32>} : memref<128xi32, #tpu.memory_space<vmem>>, vector<16xi32>,
    %get3A_54 = arith.constant 0 : i32
    %get3A_55 = arith.index_cast %get3A_54 : i32 to index
    %get3A_56 = arith.constant 16 : index
    %get3A_57 = tpu.vector_load %arg5[%get3A_55, %get3A_56] {strides = array<i32>} : memref<200x128xi32, #tpu.memory_space<vmem>>, vector<16xi32>,
    %not3A_58 = arith.constant dense<-1> : vector<16xi32>
    %not3A_59 = arith.xori %get3A_57, %not3A_58 : vector<16xi32>
    %swap3A_60 = arith.constant 16 : index
    %swap3A_61 = tpu.vector_load %arg6[%swap3A_60] {strides = array<i32>} : memref<128xi32, #tpu.memory_space<vmem>>, vector<16xi32>,
    tpu.vector_store %arg6[%swap3A_60], %not3A_59 {strides = array<i32>} : memref<128xi32, #tpu.memory_space<vmem>>, vector<16xi32>,
    %get3A_62 = arith.constant 0 : i32
    %get3A_63 = arith.index_cast %get3A_62 : i32 to index
    %get3A_64 = arith.constant 32 : index
    %get3A_65 = tpu.vector_load %arg5[%get3A_63, %get3A_64] {strides = array<i32>} : memref<200x128xi32, #tpu.memory_space<vmem>>, vector<16xi32>,
    %not3A_66 = arith.constant dense<-1> : vector<16xi32>
    %not3A_67 = arith.xori %get3A_65, %not3A_66 : vector<16xi32>
    %swap3A_68 = arith.constant 32 : index
    %swap3A_69 = tpu.vector_load %arg6[%swap3A_68] {strides = array<i32>} : memref<128xi32, #tpu.memory_space<vmem>>, vector<16xi32>,
    tpu.vector_store %arg6[%swap3A_68], %not3A_67 {strides = array<i32>} : memref<128xi32, #tpu.memory_space<vmem>>, vector<16xi32>,
    %get3A_70 = arith.constant 0 : i32
    %get3A_71 = arith.index_cast %get3A_70 : i32 to index
    %get3A_72 = arith.constant 48 : index
    %get3A_73 = tpu.vector_load %arg5[%get3A_71, %get3A_72] {strides = array<i32>} : memref<200x128xi32, #tpu.memory_space<vmem>>, vector<16xi32>,
    %not3A_74 = arith.constant dense<-1> : vector<16xi32>
    %not3A_75 = arith.xori %get3A_73, %not3A_74 : vector<16xi32>
    %swap3A_76 = arith.constant 48 : index
    %swap3A_77 = tpu.vector_load %arg6[%swap3A_76] {strides = array<i32>} : memref<128xi32, #tpu.memory_space<vmem>>, vector<16xi32>,
    tpu.vector_store %arg6[%swap3A_76], %not3A_75 {strides = array<i32>} : memref<128xi32, #tpu.memory_space<vmem>>, vector<16xi32>,
    %get3A_78 = arith.constant 0 : i32
    %get3A_79 = arith.index_cast %get3A_78 : i32 to index
    %get3A_80 = arith.constant 64 : index
    %get3A_81 = tpu.vector_load %arg5[%get3A_79, %get3A_80] {strides = array<i32>} : memref<200x128xi32, #tpu.memory_space<vmem>>, vector<16xi32>,
    %not3A_82 = arith.constant dense<-1> : vector<16xi32>
    %not3A_83 = arith.xori %get3A_81, %not3A_82 : vector<16xi32>
    %swap3A_84 = arith.constant 64 : index
    %swap3A_85 = tpu.vector_load %arg6[%swap3A_84] {strides = array<i32>} : memref<128xi32, #tpu.memory_space<vmem>>, vector<16xi32>,
    tpu.vector_store %arg6[%swap3A_84], %not3A_83 {strides = array<i32>} : memref<128xi32, #tpu.memory_space<vmem>>, vector<16xi32>,
    %get3A_86 = arith.constant 0 : i32
    %get3A_87 = arith.index_cast %get3A_86 : i32 to index
    %get3A_88 = arith.constant 80 : index
    %get3A_89 = tpu.vector_load %arg5[%get3A_87, %get3A_88] {strides = array<i32>} : memref<200x128xi32, #tpu.memory_space<vmem>>, vector<16xi32>,
    %not3A_90 = arith.constant dense<-1> : vector<16xi32>
    %not3A_91 = arith.xori %get3A_89, %not3A_90 : vector<16xi32>
    %swap3A_92 = arith.constant 80 : index
    %swap3A_93 = tpu.vector_load %arg6[%swap3A_92] {strides = array<i32>} : memref<128xi32, #tpu.memory_space<vmem>>, vector<16xi32>,
    tpu.vector_store %arg6[%swap3A_92], %not3A_91 {strides = array<i32>} : memref<128xi32, #tpu.memory_space<vmem>>, vector<16xi32>,
    %get3A_94 = arith.constant 0 : i32
    %get3A_95 = arith.index_cast %get3A_94 : i32 to index
    %get3A_96 = arith.constant 96 : index
    %get3A_97 = tpu.vector_load %arg5[%get3A_95, %get3A_96] {strides = array<i32>} : memref<200x128xi32, #tpu.memory_space<vmem>>, vector<16xi32>,
    %not3A_98 = arith.constant dense<-1> : vector<16xi32>
    %not3A_99 = arith.xori %get3A_97, %not3A_98 : vector<16xi32>
    %swap3A_100 = arith.constant 96 : index
    %swap3A_101 = tpu.vector_load %arg6[%swap3A_100] {strides = array<i32>} : memref<128xi32, #tpu.memory_space<vmem>>, vector<16xi32>,
    tpu.vector_store %arg6[%swap3A_100], %not3A_99 {strides = array<i32>} : memref<128xi32, #tpu.memory_space<vmem>>, vector<16xi32>,
    %get3A_102 = arith.constant 0 : i32
    %get3A_103 = arith.index_cast %get3A_102 : i32 to index
    %get3A_104 = arith.constant 112 : index
    %get3A_105 = tpu.vector_load %arg5[%get3A_103, %get3A_104] {strides = array<i32>} : memref<200x128xi32, #tpu.memory_space<vmem>>, vector<16xi32>,
    %not3A_106 = arith.constant dense<-1> : vector<16xi32>
    %not3A_107 = arith.xori %get3A_105, %not3A_106 : vector<16xi32>
    %swap3A_108 = arith.constant 112 : index
    %swap3A_109 = tpu.vector_load %arg6[%swap3A_108] {strides = array<i32>} : memref<128xi32, #tpu.memory_space<vmem>>, vector<16xi32>,
    tpu.vector_store %arg6[%swap3A_108], %not3A_107 {strides = array<i32>} : memref<128xi32, #tpu.memory_space<vmem>>, vector<16xi32>,
    %dma_start3A = arith.constant 0 : i32
    %dma_start3A_110 = arith.constant 0 : i32
    %dma_start3A_111 = tpu.memref_slice %arg3[%dma_start3A, %dma_start3A_110] : memref<100000x64xf32, #tpu.memory_space<hbm>> -> memref<100000x64xf32, #tpu.memory_space<hbm>>
    tpu.enqueue_indirect_dma source(%dma_start3A_111 : memref<100000x64xf32, #tpu.memory_space<hbm>>) target(%arg10 : memref<128x64xf32, #tpu.memory_space<vmem>>) offsets(%arg6 : memref<128xi32, #tpu.memory_space<vmem>>) semaphore(%arg18 : memref<!tpu.dma_semaphore, #tpu.memory_space<semaphore_mem>>)
    %get3A_112 = arith.constant 1 : i32
    %get3A_113 = arith.index_cast %get3A_112 : i32 to index
    %get3A_114 = arith.constant 0 : index
    %get3A_115 = tpu.vector_load %arg5[%get3A_113, %get3A_114] {strides = array<i32>} : memref<200x128xi32, #tpu.memory_space<vmem>>, vector<16xi32>,
    %not3A_116 = arith.constant dense<-1> : vector<16xi32>
    %not3A_117 = arith.xori %get3A_115, %not3A_116 : vector<16xi32>
    %swap3A_118 = arith.constant 0 : index
    %swap3A_119 = tpu.vector_load %arg7[%swap3A_118] {strides = array<i32>} : memref<128xi32, #tpu.memory_space<vmem>>, vector<16xi32>,
    tpu.vector_store %arg7[%swap3A_118], %not3A_117 {strides = array<i32>} : memref<128xi32, #tpu.memory_space<vmem>>, vector<16xi32>,
    %get3A_120 = arith.constant 1 : i32
    %get3A_121 = arith.index_cast %get3A_120 : i32 to index
    %get3A_122 = arith.constant 16 : index
    %get3A_123 = tpu.vector_load %arg5[%get3A_121, %get3A_122] {strides = array<i32>} : memref<200x128xi32, #tpu.memory_space<vmem>>, vector<16xi32>,
    %not3A_124 = arith.constant dense<-1> : vector<16xi32>
    %not3A_125 = arith.xori %get3A_123, %not3A_124 : vector<16xi32>
    %swap3A_126 = arith.constant 16 : index
    %swap3A_127 = tpu.vector_load %arg7[%swap3A_126] {strides = array<i32>} : memref<128xi32, #tpu.memory_space<vmem>>, vector<16xi32>,
    tpu.vector_store %arg7[%swap3A_126], %not3A_125 {strides = array<i32>} : memref<128xi32, #tpu.memory_space<vmem>>, vector<16xi32>,
    %get3A_128 = arith.constant 1 : i32
    %get3A_129 = arith.index_cast %get3A_128 : i32 to index
    %get3A_130 = arith.constant 32 : index
    %get3A_131 = tpu.vector_load %arg5[%get3A_129, %get3A_130] {strides = array<i32>} : memref<200x128xi32, #tpu.memory_space<vmem>>, vector<16xi32>,
    %not3A_132 = arith.constant dense<-1> : vector<16xi32>
    %not3A_133 = arith.xori %get3A_131, %not3A_132 : vector<16xi32>
    %swap3A_134 = arith.constant 32 : index
    %swap3A_135 = tpu.vector_load %arg7[%swap3A_134] {strides = array<i32>} : memref<128xi32, #tpu.memory_space<vmem>>, vector<16xi32>,
    tpu.vector_store %arg7[%swap3A_134], %not3A_133 {strides = array<i32>} : memref<128xi32, #tpu.memory_space<vmem>>, vector<16xi32>,
    %get3A_136 = arith.constant 1 : i32
    %get3A_137 = arith.index_cast %get3A_136 : i32 to index
    %get3A_138 = arith.constant 48 : index
    %get3A_139 = tpu.vector_load %arg5[%get3A_137, %get3A_138] {strides = array<i32>} : memref<200x128xi32, #tpu.memory_space<vmem>>, vector<16xi32>,
    %not3A_140 = arith.constant dense<-1> : vector<16xi32>
    %not3A_141 = arith.xori %get3A_139, %not3A_140 : vector<16xi32>
    %swap3A_142 = arith.constant 48 : index
    %swap3A_143 = tpu.vector_load %arg7[%swap3A_142] {strides = array<i32>} : memref<128xi32, #tpu.memory_space<vmem>>, vector<16xi32>,
    tpu.vector_store %arg7[%swap3A_142], %not3A_141 {strides = array<i32>} : memref<128xi32, #tpu.memory_space<vmem>>, vector<16xi32>,
    %get3A_144 = arith.constant 1 : i32
    %get3A_145 = arith.index_cast %get3A_144 : i32 to index
    %get3A_146 = arith.constant 64 : index
    %get3A_147 = tpu.vector_load %arg5[%get3A_145, %get3A_146] {strides = array<i32>} : memref<200x128xi32, #tpu.memory_space<vmem>>, vector<16xi32>,
    %not3A_148 = arith.constant dense<-1> : vector<16xi32>
    %not3A_149 = arith.xori %get3A_147, %not3A_148 : vector<16xi32>
    %swap3A_150 = arith.constant 64 : index
    %swap3A_151 = tpu.vector_load %arg7[%swap3A_150] {strides = array<i32>} : memref<128xi32, #tpu.memory_space<vmem>>, vector<16xi32>,
    tpu.vector_store %arg7[%swap3A_150], %not3A_149 {strides = array<i32>} : memref<128xi32, #tpu.memory_space<vmem>>, vector<16xi32>,
    %get3A_152 = arith.constant 1 : i32
    %get3A_153 = arith.index_cast %get3A_152 : i32 to index
    %get3A_154 = arith.constant 80 : index
    %get3A_155 = tpu.vector_load %arg5[%get3A_153, %get3A_154] {strides = array<i32>} : memref<200x128xi32, #tpu.memory_space<vmem>>, vector<16xi32>,
    %not3A_156 = arith.constant dense<-1> : vector<16xi32>
    %not3A_157 = arith.xori %get3A_155, %not3A_156 : vector<16xi32>
    %swap3A_158 = arith.constant 80 : index
    %swap3A_159 = tpu.vector_load %arg7[%swap3A_158] {strides = array<i32>} : memref<128xi32, #tpu.memory_space<vmem>>, vector<16xi32>,
    tpu.vector_store %arg7[%swap3A_158], %not3A_157 {strides = array<i32>} : memref<128xi32, #tpu.memory_space<vmem>>, vector<16xi32>,
    %get3A_160 = arith.constant 1 : i32
    %get3A_161 = arith.index_cast %get3A_160 : i32 to index
    %get3A_162 = arith.constant 96 : index
    %get3A_163 = tpu.vector_load %arg5[%get3A_161, %get3A_162] {strides = array<i32>} : memref<200x128xi32, #tpu.memory_space<vmem>>, vector<16xi32>,
    %not3A_164 = arith.constant dense<-1> : vector<16xi32>
    %not3A_165 = arith.xori %get3A_163, %not3A_164 : vector<16xi32>
    %swap3A_166 = arith.constant 96 : index
    %swap3A_167 = tpu.vector_load %arg7[%swap3A_166] {strides = array<i32>} : memref<128xi32, #tpu.memory_space<vmem>>, vector<16xi32>,
    tpu.vector_store %arg7[%swap3A_166], %not3A_165 {strides = array<i32>} : memref<128xi32, #tpu.memory_space<vmem>>, vector<16xi32>,
    %get3A_168 = arith.constant 1 : i32
    %get3A_169 = arith.index_cast %get3A_168 : i32 to index
    %get3A_170 = arith.constant 112 : index
    %get3A_171 = tpu.vector_load %arg5[%get3A_169, %get3A_170] {strides = array<i32>} : memref<200x128xi32, #tpu.memory_space<vmem>>, vector<16xi32>,
    %not3A_172 = arith.constant dense<-1> : vector<16xi32>
    %not3A_173 = arith.xori %get3A_171, %not3A_172 : vector<16xi32>
    %swap3A_174 = arith.constant 112 : index
    %swap3A_175 = tpu.vector_load %arg7[%swap3A_174] {strides = array<i32>} : memref<128xi32, #tpu.memory_space<vmem>>, vector<16xi32>,
    tpu.vector_store %arg7[%swap3A_174], %not3A_173 {strides = array<i32>} : memref<128xi32, #tpu.memory_space<vmem>>, vector<16xi32>,
    %dma_start3A_176 = arith.constant 0 : i32
    %dma_start3A_177 = arith.constant 0 : i32
    %dma_start3A_178 = tpu.memref_slice %arg3[%dma_start3A_176, %dma_start3A_177] : memref<100000x64xf32, #tpu.memory_space<hbm>> -> memref<100000x64xf32, #tpu.memory_space<hbm>>
    tpu.enqueue_indirect_dma source(%dma_start3A_178 : memref<100000x64xf32, #tpu.memory_space<hbm>>) target(%arg11 : memref<128x64xf32, #tpu.memory_space<vmem>>) offsets(%arg7 : memref<128xi32, #tpu.memory_space<vmem>>) semaphore(%arg19 : memref<!tpu.dma_semaphore, #tpu.memory_space<semaphore_mem>>)
    %get3A_179 = arith.constant 2 : i32
    %get3A_180 = arith.index_cast %get3A_179 : i32 to index
    %get3A_181 = arith.constant 0 : index
    %get3A_182 = tpu.vector_load %arg5[%get3A_180, %get3A_181] {strides = array<i32>} : memref<200x128xi32, #tpu.memory_space<vmem>>, vector<16xi32>,
    %not3A_183 = arith.constant dense<-1> : vector<16xi32>
    %not3A_184 = arith.xori %get3A_182, %not3A_183 : vector<16xi32>
    %swap3A_185 = arith.constant 0 : index
    %swap3A_186 = tpu.vector_load %arg8[%swap3A_185] {strides = array<i32>} : memref<128xi32, #tpu.memory_space<vmem>>, vector<16xi32>,
    tpu.vector_store %arg8[%swap3A_185], %not3A_184 {strides = array<i32>} : memref<128xi32, #tpu.memory_space<vmem>>, vector<16xi32>,
    %get3A_187 = arith.constant 2 : i32
    %get3A_188 = arith.index_cast %get3A_187 : i32 to index
    %get3A_189 = arith.constant 16 : index
    %get3A_190 = tpu.vector_load %arg5[%get3A_188, %get3A_189] {strides = array<i32>} : memref<200x128xi32, #tpu.memory_space<vmem>>, vector<16xi32>,
    %not3A_191 = arith.constant dense<-1> : vector<16xi32>
    %not3A_192 = arith.xori %get3A_190, %not3A_191 : vector<16xi32>
    %swap3A_193 = arith.constant 16 : index
    %swap3A_194 = tpu.vector_load %arg8[%swap3A_193] {strides = array<i32>} : memref<128xi32, #tpu.memory_space<vmem>>, vector<16xi32>,
    tpu.vector_store %arg8[%swap3A_193], %not3A_192 {strides = array<i32>} : memref<128xi32, #tpu.memory_space<vmem>>, vector<16xi32>,
    %get3A_195 = arith.constant 2 : i32
    %get3A_196 = arith.index_cast %get3A_195 : i32 to index
    %get3A_197 = arith.constant 32 : index
    %get3A_198 = tpu.vector_load %arg5[%get3A_196, %get3A_197] {strides = array<i32>} : memref<200x128xi32, #tpu.memory_space<vmem>>, vector<16xi32>,
    %not3A_199 = arith.constant dense<-1> : vector<16xi32>
    %not3A_200 = arith.xori %get3A_198, %not3A_199 : vector<16xi32>
    %swap3A_201 = arith.constant 32 : index
    %swap3A_202 = tpu.vector_load %arg8[%swap3A_201] {strides = array<i32>} : memref<128xi32, #tpu.memory_space<vmem>>, vector<16xi32>,
    tpu.vector_store %arg8[%swap3A_201], %not3A_200 {strides = array<i32>} : memref<128xi32, #tpu.memory_space<vmem>>, vector<16xi32>,
    %get3A_203 = arith.constant 2 : i32
    %get3A_204 = arith.index_cast %get3A_203 : i32 to index
    %get3A_205 = arith.constant 48 : index
    %get3A_206 = tpu.vector_load %arg5[%get3A_204, %get3A_205] {strides = array<i32>} : memref<200x128xi32, #tpu.memory_space<vmem>>, vector<16xi32>,
    %not3A_207 = arith.constant dense<-1> : vector<16xi32>
    %not3A_208 = arith.xori %get3A_206, %not3A_207 : vector<16xi32>
    %swap3A_209 = arith.constant 48 : index
    %swap3A_210 = tpu.vector_load %arg8[%swap3A_209] {strides = array<i32>} : memref<128xi32, #tpu.memory_space<vmem>>, vector<16xi32>,
    tpu.vector_store %arg8[%swap3A_209], %not3A_208 {strides = array<i32>} : memref<128xi32, #tpu.memory_space<vmem>>, vector<16xi32>,
    %get3A_211 = arith.constant 2 : i32
    %get3A_212 = arith.index_cast %get3A_211 : i32 to index
    %get3A_213 = arith.constant 64 : index
    %get3A_214 = tpu.vector_load %arg5[%get3A_212, %get3A_213] {strides = array<i32>} : memref<200x128xi32, #tpu.memory_space<vmem>>, vector<16xi32>,
    %not3A_215 = arith.constant dense<-1> : vector<16xi32>
    %not3A_216 = arith.xori %get3A_214, %not3A_215 : vector<16xi32>
    %swap3A_217 = arith.constant 64 : index
    %swap3A_218 = tpu.vector_load %arg8[%swap3A_217] {strides = array<i32>} : memref<128xi32, #tpu.memory_space<vmem>>, vector<16xi32>,
    tpu.vector_store %arg8[%swap3A_217], %not3A_216 {strides = array<i32>} : memref<128xi32, #tpu.memory_space<vmem>>, vector<16xi32>,
    %get3A_219 = arith.constant 2 : i32
    %get3A_220 = arith.index_cast %get3A_219 : i32 to index
    %get3A_221 = arith.constant 80 : index
    %get3A_222 = tpu.vector_load %arg5[%get3A_220, %get3A_221] {strides = array<i32>} : memref<200x128xi32, #tpu.memory_space<vmem>>, vector<16xi32>,
    %not3A_223 = arith.constant dense<-1> : vector<16xi32>
    %not3A_224 = arith.xori %get3A_222, %not3A_223 : vector<16xi32>
    %swap3A_225 = arith.constant 80 : index
    %swap3A_226 = tpu.vector_load %arg8[%swap3A_225] {strides = array<i32>} : memref<128xi32, #tpu.memory_space<vmem>>, vector<16xi32>,
    tpu.vector_store %arg8[%swap3A_225], %not3A_224 {strides = array<i32>} : memref<128xi32, #tpu.memory_space<vmem>>, vector<16xi32>,
    %get3A_227 = arith.constant 2 : i32
    %get3A_228 = arith.index_cast %get3A_227 : i32 to index
    %get3A_229 = arith.constant 96 : index
    %get3A_230 = tpu.vector_load %arg5[%get3A_228, %get3A_229] {strides = array<i32>} : memref<200x128xi32, #tpu.memory_space<vmem>>, vector<16xi32>,
    %not3A_231 = arith.constant dense<-1> : vector<16xi32>
    %not3A_232 = arith.xori %get3A_230, %not3A_231 : vector<16xi32>
    %swap3A_233 = arith.constant 96 : index
    %swap3A_234 = tpu.vector_load %arg8[%swap3A_233] {strides = array<i32>} : memref<128xi32, #tpu.memory_space<vmem>>, vector<16xi32>,
    tpu.vector_store %arg8[%swap3A_233], %not3A_232 {strides = array<i32>} : memref<128xi32, #tpu.memory_space<vmem>>, vector<16xi32>,
    %get3A_235 = arith.constant 2 : i32
    %get3A_236 = arith.index_cast %get3A_235 : i32 to index
    %get3A_237 = arith.constant 112 : index
    %get3A_238 = tpu.vector_load %arg5[%get3A_236, %get3A_237] {strides = array<i32>} : memref<200x128xi32, #tpu.memory_space<vmem>>, vector<16xi32>,
    %not3A_239 = arith.constant dense<-1> : vector<16xi32>
    %not3A_240 = arith.xori %get3A_238, %not3A_239 : vector<16xi32>
    %swap3A_241 = arith.constant 112 : index
    %swap3A_242 = tpu.vector_load %arg8[%swap3A_241] {strides = array<i32>} : memref<128xi32, #tpu.memory_space<vmem>>, vector<16xi32>,
    tpu.vector_store %arg8[%swap3A_241], %not3A_240 {strides = array<i32>} : memref<128xi32, #tpu.memory_space<vmem>>, vector<16xi32>,
    %dma_start3A_243 = arith.constant 0 : i32
    %dma_start3A_244 = arith.constant 0 : i32
    %dma_start3A_245 = tpu.memref_slice %arg3[%dma_start3A_243, %dma_start3A_244] : memref<100000x64xf32, #tpu.memory_space<hbm>> -> memref<100000x64xf32, #tpu.memory_space<hbm>>
    tpu.enqueue_indirect_dma source(%dma_start3A_245 : memref<100000x64xf32, #tpu.memory_space<hbm>>) target(%arg12 : memref<128x64xf32, #tpu.memory_space<vmem>>) offsets(%arg8 : memref<128xi32, #tpu.memory_space<vmem>>) semaphore(%arg20 : memref<!tpu.dma_semaphore, #tpu.memory_space<semaphore_mem>>)
    %get3A_246 = arith.constant 3 : i32
    %get3A_247 = arith.index_cast %get3A_246 : i32 to index
    %get3A_248 = arith.constant 0 : index
    %get3A_249 = tpu.vector_load %arg5[%get3A_247, %get3A_248] {strides = array<i32>} : memref<200x128xi32, #tpu.memory_space<vmem>>, vector<16xi32>,
    %not3A_250 = arith.constant dense<-1> : vector<16xi32>
    %not3A_251 = arith.xori %get3A_249, %not3A_250 : vector<16xi32>
    %swap3A_252 = arith.constant 0 : index
    %swap3A_253 = tpu.vector_load %arg9[%swap3A_252] {strides = array<i32>} : memref<128xi32, #tpu.memory_space<vmem>>, vector<16xi32>,
    tpu.vector_store %arg9[%swap3A_252], %not3A_251 {strides = array<i32>} : memref<128xi32, #tpu.memory_space<vmem>>, vector<16xi32>,
    %get3A_254 = arith.constant 3 : i32
    %get3A_255 = arith.index_cast %get3A_254 : i32 to index
    %get3A_256 = arith.constant 16 : index
    %get3A_257 = tpu.vector_load %arg5[%get3A_255, %get3A_256] {strides = array<i32>} : memref<200x128xi32, #tpu.memory_space<vmem>>, vector<16xi32>,
    %not3A_258 = arith.constant dense<-1> : vector<16xi32>
    %not3A_259 = arith.xori %get3A_257, %not3A_258 : vector<16xi32>
    %swap3A_260 = arith.constant 16 : index
    %swap3A_261 = tpu.vector_load %arg9[%swap3A_260] {strides = array<i32>} : memref<128xi32, #tpu.memory_space<vmem>>, vector<16xi32>,
    tpu.vector_store %arg9[%swap3A_260], %not3A_259 {strides = array<i32>} : memref<128xi32, #tpu.memory_space<vmem>>, vector<16xi32>,
    %get3A_262 = arith.constant 3 : i32
    %get3A_263 = arith.index_cast %get3A_262 : i32 to index
    %get3A_264 = arith.constant 32 : index
    %get3A_265 = tpu.vector_load %arg5[%get3A_263, %get3A_264] {strides = array<i32>} : memref<200x128xi32, #tpu.memory_space<vmem>>, vector<16xi32>,
    %not3A_266 = arith.constant dense<-1> : vector<16xi32>
    %not3A_267 = arith.xori %get3A_265, %not3A_266 : vector<16xi32>
    %swap3A_268 = arith.constant 32 : index
    %swap3A_269 = tpu.vector_load %arg9[%swap3A_268] {strides = array<i32>} : memref<128xi32, #tpu.memory_space<vmem>>, vector<16xi32>,
    tpu.vector_store %arg9[%swap3A_268], %not3A_267 {strides = array<i32>} : memref<128xi32, #tpu.memory_space<vmem>>, vector<16xi32>,
    %get3A_270 = arith.constant 3 : i32
    %get3A_271 = arith.index_cast %get3A_270 : i32 to index
    %get3A_272 = arith.constant 48 : index
    %get3A_273 = tpu.vector_load %arg5[%get3A_271, %get3A_272] {strides = array<i32>} : memref<200x128xi32, #tpu.memory_space<vmem>>, vector<16xi32>,
    %not3A_274 = arith.constant dense<-1> : vector<16xi32>
    %not3A_275 = arith.xori %get3A_273, %not3A_274 : vector<16xi32>
    %swap3A_276 = arith.constant 48 : index
    %swap3A_277 = tpu.vector_load %arg9[%swap3A_276] {strides = array<i32>} : memref<128xi32, #tpu.memory_space<vmem>>, vector<16xi32>,
    tpu.vector_store %arg9[%swap3A_276], %not3A_275 {strides = array<i32>} : memref<128xi32, #tpu.memory_space<vmem>>, vector<16xi32>,
    %get3A_278 = arith.constant 3 : i32
    %get3A_279 = arith.index_cast %get3A_278 : i32 to index
    %get3A_280 = arith.constant 64 : index
    %get3A_281 = tpu.vector_load %arg5[%get3A_279, %get3A_280] {strides = array<i32>} : memref<200x128xi32, #tpu.memory_space<vmem>>, vector<16xi32>,
    %not3A_282 = arith.constant dense<-1> : vector<16xi32>
    %not3A_283 = arith.xori %get3A_281, %not3A_282 : vector<16xi32>
    %swap3A_284 = arith.constant 64 : index
    %swap3A_285 = tpu.vector_load %arg9[%swap3A_284] {strides = array<i32>} : memref<128xi32, #tpu.memory_space<vmem>>, vector<16xi32>,
    tpu.vector_store %arg9[%swap3A_284], %not3A_283 {strides = array<i32>} : memref<128xi32, #tpu.memory_space<vmem>>, vector<16xi32>,
    %get3A_286 = arith.constant 3 : i32
    %get3A_287 = arith.index_cast %get3A_286 : i32 to index
    %get3A_288 = arith.constant 80 : index
    %get3A_289 = tpu.vector_load %arg5[%get3A_287, %get3A_288] {strides = array<i32>} : memref<200x128xi32, #tpu.memory_space<vmem>>, vector<16xi32>,
    %not3A_290 = arith.constant dense<-1> : vector<16xi32>
    %not3A_291 = arith.xori %get3A_289, %not3A_290 : vector<16xi32>
    %swap3A_292 = arith.constant 80 : index
    %swap3A_293 = tpu.vector_load %arg9[%swap3A_292] {strides = array<i32>} : memref<128xi32, #tpu.memory_space<vmem>>, vector<16xi32>,
    tpu.vector_store %arg9[%swap3A_292], %not3A_291 {strides = array<i32>} : memref<128xi32, #tpu.memory_space<vmem>>, vector<16xi32>,
    %get3A_294 = arith.constant 3 : i32
    %get3A_295 = arith.index_cast %get3A_294 : i32 to index
    %get3A_296 = arith.constant 96 : index
    %get3A_297 = tpu.vector_load %arg5[%get3A_295, %get3A_296] {strides = array<i32>} : memref<200x128xi32, #tpu.memory_space<vmem>>, vector<16xi32>,
    %not3A_298 = arith.constant dense<-1> : vector<16xi32>
    %not3A_299 = arith.xori %get3A_297, %not3A_298 : vector<16xi32>
    %swap3A_300 = arith.constant 96 : index
    %swap3A_301 = tpu.vector_load %arg9[%swap3A_300] {strides = array<i32>} : memref<128xi32, #tpu.memory_space<vmem>>, vector<16xi32>,
    tpu.vector_store %arg9[%swap3A_300], %not3A_299 {strides = array<i32>} : memref<128xi32, #tpu.memory_space<vmem>>, vector<16xi32>,
    %get3A_302 = arith.constant 3 : i32
    %get3A_303 = arith.index_cast %get3A_302 : i32 to index
    %get3A_304 = arith.constant 112 : index
    %get3A_305 = tpu.vector_load %arg5[%get3A_303, %get3A_304] {strides = array<i32>} : memref<200x128xi32, #tpu.memory_space<vmem>>, vector<16xi32>,
    %not3A_306 = arith.constant dense<-1> : vector<16xi32>
    %not3A_307 = arith.xori %get3A_305, %not3A_306 : vector<16xi32>
    %swap3A_308 = arith.constant 112 : index
    %swap3A_309 = tpu.vector_load %arg9[%swap3A_308] {strides = array<i32>} : memref<128xi32, #tpu.memory_space<vmem>>, vector<16xi32>,
    tpu.vector_store %arg9[%swap3A_308], %not3A_307 {strides = array<i32>} : memref<128xi32, #tpu.memory_space<vmem>>, vector<16xi32>,
    %dma_start3A_310 = arith.constant 0 : i32
    %dma_start3A_311 = arith.constant 0 : i32
    %dma_start3A_312 = tpu.memref_slice %arg3[%dma_start3A_310, %dma_start3A_311] : memref<100000x64xf32, #tpu.memory_space<hbm>> -> memref<100000x64xf32, #tpu.memory_space<hbm>>
    tpu.enqueue_indirect_dma source(%dma_start3A_312 : memref<100000x64xf32, #tpu.memory_space<hbm>>) target(%arg13 : memref<128x64xf32, #tpu.memory_space<vmem>>) offsets(%arg9 : memref<128xi32, #tpu.memory_space<vmem>>) semaphore(%arg21 : memref<!tpu.dma_semaphore, #tpu.memory_space<semaphore_mem>>)
    %scan3A = arith.constant 0 : i32
    %scan3A_313 = arith.constant 0 : i32
    %scan3A_314 = arith.constant 50 : i32
    %scan3A_315 = arith.addi %scan3A_313, %scan3A_314 : i32
    %scan3A_316 = arith.constant 1 : i32
    scf.for %scan3A_393 = %scan3A_313 to %scan3A_315 step %scan3A_316  : i32 {
      %mul3A_394 = arith.constant 4 : i32
      %mul3A_395 = arith.muli %mul3A_394, %scan3A_393 : i32
      %add3A_396 = arith.constant 0 : i32
      %add3A_397 = arith.addi %mul3A_395, %add3A_396 : i32
      %dma_wait3A_398 = arith.constant 0 : i32
      %dma_wait3A_399 = arith.constant 0 : i32
      %dma_wait3A_400 = tpu.memref_slice %arg3[%dma_wait3A_398, %dma_wait3A_399] : memref<100000x64xf32, #tpu.memory_space<hbm>> -> memref<100000x64xf32, #tpu.memory_space<hbm>>
      tpu.wait_indirect_dma semaphore(%arg18 : memref<!tpu.dma_semaphore, #tpu.memory_space<semaphore_mem>>) src(%dma_wait3A_400 : memref<100000x64xf32, #tpu.memory_space<hbm>>) dst(%arg10 : memref<128x64xf32, #tpu.memory_space<vmem>>)
      %gt3A = arith.constant 0 : i32
      %gt3A_401 = arith.cmpi sgt, %scan3A_393, %gt3A : i32
      %convert_element_type3A = arith.extui %gt3A_401 : i1 to i32
      %cond3A = arith.constant 0 : i32
      %cond3A_402 = arith.cmpi ne, %convert_element_type3A, %cond3A : i32
      scf.if %cond3A_402 {
        %dma_wait3A_549 = arith.constant 0 : i32
        %dma_wait3A_550 = arith.constant 0 : i32
        %dma_wait3A_551 = arith.constant 0 : i32
        %dma_wait3A_552 = arith.constant 0 : i32
        %dma_wait3A_553 = tpu.memref_slice %arg14[%dma_wait3A_550, %dma_wait3A_551, %dma_wait3A_552] : memref<8x8x129xf32, #tpu.memory_space<vmem>> -> memref<8x8x128xf32, #tpu.memory_space<vmem>>
        %dma_wait3A_554 = arith.constant 0 : i32
        %dma_wait3A_555 = arith.constant 0 : i32
        %dma_wait3A_556 = arith.constant 0 : i32
        %dma_wait3A_557 = tpu.memref_slice %arg4[%dma_wait3A_549, %dma_wait3A_554, %add3A, %dma_wait3A_555, %dma_wait3A_556] : memref<200x8x32x8x128xf32, #tpu.memory_space<hbm>> -> memref<1x8x1x8x128xf32, #tpu.memory_space<hbm>>
        %dma_wait3A_558 = tpu.memref_squeeze %dma_wait3A_557 : memref<1x8x1x8x128xf32, #tpu.memory_space<hbm>> -> memref<8x8x128xf32, #tpu.memory_space<hbm>>
        %dma_wait3A_559 = arith.constant 0 : i32
        %dma_wait3A_560 = arith.constant 0 : i32
        %dma_wait3A_561 = arith.constant 0 : i32
        %dma_wait3A_562 = tpu.memref_slice %arg4[%dma_wait3A_549, %dma_wait3A_559, %add3A, %dma_wait3A_560, %dma_wait3A_561] : memref<200x8x32x8x128xf32, #tpu.memory_space<hbm>> -> memref<1x8x1x8x128xf32, #tpu.memory_space<hbm>>
        %dma_wait3A_563 = tpu.memref_squeeze %dma_wait3A_562 : memref<1x8x1x8x128xf32, #tpu.memory_space<hbm>> -> memref<8x8x128xf32, #tpu.memory_space<hbm>>
        %dma_wait3A_564 = arith.constant 0 : i32
        %dma_wait3A_565 = arith.constant 0 : i32
        %dma_wait3A_566 = arith.constant 0 : i32
        %dma_wait3A_567 = tpu.memref_slice %arg14[%dma_wait3A_564, %dma_wait3A_565, %dma_wait3A_566] : memref<8x8x129xf32, #tpu.memory_space<vmem>> -> memref<8x8x128xf32, #tpu.memory_space<vmem>>
        tpu.wait_dma2 semaphore(%arg22 : memref<!tpu.dma_semaphore, #tpu.memory_space<semaphore_mem>>) src(%dma_wait3A_567 : memref<8x8x128xf32, #tpu.memory_space<vmem>>) dst(%dma_wait3A_563 : memref<8x8x128xf32, #tpu.memory_space<hbm>>)
      } else {
      }
      %parallel_loop3A = arith.constant 0 : i32
      %parallel_loop3A_403 = arith.constant 128 : i32
      %parallel_loop3A_404 = arith.constant 1 : i32
      scf.for %parallel_loop3A_549 = %parallel_loop3A to %parallel_loop3A_403 step %parallel_loop3A_404  : i32 {
        %parallel_loop3A_550 = arith.constant 0 : i32
        %parallel_loop3A_551 = vector.broadcast %parallel_loop3A_550 : i32 to vector<16xi32>
        %parallel_loop3A_552 = vector.broadcast %parallel_loop3A_549 : i32 to vector<16xi32>
        %parallel_loop3A_553 = arith.addi %parallel_loop3A_551, %parallel_loop3A_552 : vector<16xi32>
        %parallel_loop3A_554 = arith.index_cast %parallel_loop3A_549 : i32 to index
        %parallel_loop3A_555 = arith.constant 0 : index
        %parallel_loop3A_556 = tpu.vector_load %arg10[%parallel_loop3A_554, %parallel_loop3A_555] {strides = array<i32>} : memref<128x64xf32, #tpu.memory_space<vmem>>, vector<16xf32>,
        %parallel_loop3A_557 = arith.index_cast %parallel_loop3A_549 : i32 to index
        %parallel_loop3A_558 = arith.constant 16 : index
        %parallel_loop3A_559 = tpu.vector_load %arg10[%parallel_loop3A_557, %parallel_loop3A_558] {strides = array<i32>} : memref<128x64xf32, #tpu.memory_space<vmem>>, vector<16xf32>,
        %parallel_loop3A_560 = arith.index_cast %parallel_loop3A_549 : i32 to index
        %parallel_loop3A_561 = arith.constant 32 : index
        %parallel_loop3A_562 = tpu.vector_load %arg10[%parallel_loop3A_560, %parallel_loop3A_561] {strides = array<i32>} : memref<128x64xf32, #tpu.memory_space<vmem>>, vector<16xf32>,
        %parallel_loop3A_563 = arith.index_cast %parallel_loop3A_549 : i32 to index
        %parallel_loop3A_564 = arith.constant 48 : index
        %parallel_loop3A_565 = tpu.vector_load %arg10[%parallel_loop3A_563, %parallel_loop3A_564] {strides = array<i32>} : memref<128x64xf32, #tpu.memory_space<vmem>>, vector<16xf32>,
        tpu.vector_store_idx %arg14[%shift_right_arithmetic3A_7, %and3A_30, %parallel_loop3A_553], %parallel_loop3A_556 : memref<8x8x129xf32, #tpu.memory_space<vmem>>[vector<16xi32>, vector<16xi32>, vector<16xi32>], vector<16xf32>,
        tpu.vector_store_idx %arg14[%shift_right_arithmetic3A_13, %and3A_36, %parallel_loop3A_553], %parallel_loop3A_559 : memref<8x8x129xf32, #tpu.memory_space<vmem>>[vector<16xi32>, vector<16xi32>, vector<16xi32>], vector<16xf32>,
        tpu.vector_store_idx %arg14[%shift_right_arithmetic3A_19, %and3A_42, %parallel_loop3A_553], %parallel_loop3A_562 : memref<8x8x129xf32, #tpu.memory_space<vmem>>[vector<16xi32>, vector<16xi32>, vector<16xi32>], vector<16xf32>,
        tpu.vector_store_idx %arg14[%shift_right_arithmetic3A_25, %and3A_48, %parallel_loop3A_553], %parallel_loop3A_565 : memref<8x8x129xf32, #tpu.memory_space<vmem>>[vector<16xi32>, vector<16xi32>, vector<16xi32>], vector<16xf32>,
      } {sc.loop_unroll_factor = 4 : i64, sc.parallel_access}
      %dma_start3A_405 = arith.constant 0 : i32
      %dma_start3A_406 = arith.constant 0 : i32
      %dma_start3A_407 = arith.constant 0 : i32
      %dma_start3A_408 = tpu.memref_slice %arg14[%dma_start3A_405, %dma_start3A_406, %dma_start3A_407] : memref<8x8x129xf32, #tpu.memory_space<vmem>> -> memref<8x8x128xf32, #tpu.memory_space<vmem>>
      %dma_start3A_409 = arith.constant 0 : i32
      %dma_start3A_410 = arith.constant 0 : i32
      %dma_start3A_411 = arith.constant 0 : i32
      %dma_start3A_412 = tpu.memref_slice %arg4[%add3A_397, %dma_start3A_409, %add3A, %dma_start3A_410, %dma_start3A_411] : memref<200x8x32x8x128xf32, #tpu.memory_space<hbm>> -> memref<1x8x1x8x128xf32, #tpu.memory_space<hbm>>
      %dma_start3A_413 = tpu.memref_squeeze %dma_start3A_412 : memref<1x8x1x8x128xf32, #tpu.memory_space<hbm>> -> memref<8x8x128xf32, #tpu.memory_space<hbm>>
      %dma_start3A_414 = arith.constant 0 : i32
      %dma_start3A_415 = arith.constant 0 : i32
      %dma_start3A_416 = arith.constant 0 : i32
      %dma_start3A_417 = tpu.memref_slice %arg4[%add3A_397, %dma_start3A_414, %add3A, %dma_start3A_415, %dma_start3A_416] : memref<200x8x32x8x128xf32, #tpu.memory_space<hbm>> -> memref<1x8x1x8x128xf32, #tpu.memory_space<hbm>>
      %dma_start3A_418 = tpu.memref_squeeze %dma_start3A_417 : memref<1x8x1x8x128xf32, #tpu.memory_space<hbm>> -> memref<8x8x128xf32, #tpu.memory_space<hbm>>
      %dma_start3A_419 = arith.constant 0 : i32
      %dma_start3A_420 = arith.constant 0 : i32
      %dma_start3A_421 = arith.constant 0 : i32
      %dma_start3A_422 = tpu.memref_slice %arg14[%dma_start3A_419, %dma_start3A_420, %dma_start3A_421] : memref<8x8x129xf32, #tpu.memory_space<vmem>> -> memref<8x8x128xf32, #tpu.memory_space<vmem>>
      tpu.enqueue_dma source(%dma_start3A_422 : memref<8x8x128xf32, #tpu.memory_space<vmem>>) target(%dma_start3A_418 : memref<8x8x128xf32, #tpu.memory_space<hbm>>) target_semaphore(%arg22 : memref<!tpu.dma_semaphore, #tpu.memory_space<semaphore_mem>>)
      %add3A_423 = arith.constant 1 : i32
      %add3A_424 = arith.addi %scan3A_393, %add3A_423 : i32
      %lt3A = arith.constant 50 : i32
      %lt3A_425 = arith.cmpi slt, %add3A_424, %lt3A : i32
      %convert_element_type3A_426 = arith.extui %lt3A_425 : i1 to i32
      %cond3A_427 = arith.constant 0 : i32
      %cond3A_428 = arith.cmpi ne, %convert_element_type3A_426, %cond3A_427 : i32
      scf.if %cond3A_428 {
        %add3A_549 = arith.constant 4 : i32
        %add3A_550 = arith.addi %add3A_397, %add3A_549 : i32
        %get3A_551 = arith.index_cast %add3A_550 : i32 to index
        %get3A_552 = arith.constant 0 : index
        %get3A_553 = tpu.vector_load %arg5[%get3A_551, %get3A_552] {strides = array<i32>} : memref<200x128xi32, #tpu.memory_space<vmem>>, vector<16xi32>,
        %not3A_554 = arith.constant dense<-1> : vector<16xi32>
        %not3A_555 = arith.xori %get3A_553, %not3A_554 : vector<16xi32>
        %swap3A_556 = arith.constant 0 : index
        %swap3A_557 = tpu.vector_load %arg6[%swap3A_556] {strides = array<i32>} : memref<128xi32, #tpu.memory_space<vmem>>, vector<16xi32>,
        tpu.vector_store %arg6[%swap3A_556], %not3A_555 {strides = array<i32>} : memref<128xi32, #tpu.memory_space<vmem>>, vector<16xi32>,
        %get3A_558 = arith.index_cast %add3A_550 : i32 to index
        %get3A_559 = arith.constant 16 : index
        %get3A_560 = tpu.vector_load %arg5[%get3A_558, %get3A_559] {strides = array<i32>} : memref<200x128xi32, #tpu.memory_space<vmem>>, vector<16xi32>,
        %not3A_561 = arith.constant dense<-1> : vector<16xi32>
        %not3A_562 = arith.xori %get3A_560, %not3A_561 : vector<16xi32>
        %swap3A_563 = arith.constant 16 : index
        %swap3A_564 = tpu.vector_load %arg6[%swap3A_563] {strides = array<i32>} : memref<128xi32, #tpu.memory_space<vmem>>, vector<16xi32>,
        tpu.vector_store %arg6[%swap3A_563], %not3A_562 {strides = array<i32>} : memref<128xi32, #tpu.memory_space<vmem>>, vector<16xi32>,
        %get3A_565 = arith.index_cast %add3A_550 : i32 to index
        %get3A_566 = arith.constant 32 : index
        %get3A_567 = tpu.vector_load %arg5[%get3A_565, %get3A_566] {strides = array<i32>} : memref<200x128xi32, #tpu.memory_space<vmem>>, vector<16xi32>,
        %not3A_568 = arith.constant dense<-1> : vector<16xi32>
        %not3A_569 = arith.xori %get3A_567, %not3A_568 : vector<16xi32>
        %swap3A_570 = arith.constant 32 : index
        %swap3A_571 = tpu.vector_load %arg6[%swap3A_570] {strides = array<i32>} : memref<128xi32, #tpu.memory_space<vmem>>, vector<16xi32>,
        tpu.vector_store %arg6[%swap3A_570], %not3A_569 {strides = array<i32>} : memref<128xi32, #tpu.memory_space<vmem>>, vector<16xi32>,
        %get3A_572 = arith.index_cast %add3A_550 : i32 to index
        %get3A_573 = arith.constant 48 : index
        %get3A_574 = tpu.vector_load %arg5[%get3A_572, %get3A_573] {strides = array<i32>} : memref<200x128xi32, #tpu.memory_space<vmem>>, vector<16xi32>,
        %not3A_575 = arith.constant dense<-1> : vector<16xi32>
        %not3A_576 = arith.xori %get3A_574, %not3A_575 : vector<16xi32>
        %swap3A_577 = arith.constant 48 : index
        %swap3A_578 = tpu.vector_load %arg6[%swap3A_577] {strides = array<i32>} : memref<128xi32, #tpu.memory_space<vmem>>, vector<16xi32>,
        tpu.vector_store %arg6[%swap3A_577], %not3A_576 {strides = array<i32>} : memref<128xi32, #tpu.memory_space<vmem>>, vector<16xi32>,
        %get3A_579 = arith.index_cast %add3A_550 : i32 to index
        %get3A_580 = arith.constant 64 : index
        %get3A_581 = tpu.vector_load %arg5[%get3A_579, %get3A_580] {strides = array<i32>} : memref<200x128xi32, #tpu.memory_space<vmem>>, vector<16xi32>,
        %not3A_582 = arith.constant dense<-1> : vector<16xi32>
        %not3A_583 = arith.xori %get3A_581, %not3A_582 : vector<16xi32>
        %swap3A_584 = arith.constant 64 : index
        %swap3A_585 = tpu.vector_load %arg6[%swap3A_584] {strides = array<i32>} : memref<128xi32, #tpu.memory_space<vmem>>, vector<16xi32>,
        tpu.vector_store %arg6[%swap3A_584], %not3A_583 {strides = array<i32>} : memref<128xi32, #tpu.memory_space<vmem>>, vector<16xi32>,
        %get3A_586 = arith.index_cast %add3A_550 : i32 to index
        %get3A_587 = arith.constant 80 : index
        %get3A_588 = tpu.vector_load %arg5[%get3A_586, %get3A_587] {strides = array<i32>} : memref<200x128xi32, #tpu.memory_space<vmem>>, vector<16xi32>,
        %not3A_589 = arith.constant dense<-1> : vector<16xi32>
        %not3A_590 = arith.xori %get3A_588, %not3A_589 : vector<16xi32>
        %swap3A_591 = arith.constant 80 : index
        %swap3A_592 = tpu.vector_load %arg6[%swap3A_591] {strides = array<i32>} : memref<128xi32, #tpu.memory_space<vmem>>, vector<16xi32>,
        tpu.vector_store %arg6[%swap3A_591], %not3A_590 {strides = array<i32>} : memref<128xi32, #tpu.memory_space<vmem>>, vector<16xi32>,
        %get3A_593 = arith.index_cast %add3A_550 : i32 to index
        %get3A_594 = arith.constant 96 : index
        %get3A_595 = tpu.vector_load %arg5[%get3A_593, %get3A_594] {strides = array<i32>} : memref<200x128xi32, #tpu.memory_space<vmem>>, vector<16xi32>,
        %not3A_596 = arith.constant dense<-1> : vector<16xi32>
        %not3A_597 = arith.xori %get3A_595, %not3A_596 : vector<16xi32>
        %swap3A_598 = arith.constant 96 : index
        %swap3A_599 = tpu.vector_load %arg6[%swap3A_598] {strides = array<i32>} : memref<128xi32, #tpu.memory_space<vmem>>, vector<16xi32>,
        tpu.vector_store %arg6[%swap3A_598], %not3A_597 {strides = array<i32>} : memref<128xi32, #tpu.memory_space<vmem>>, vector<16xi32>,
        %get3A_600 = arith.index_cast %add3A_550 : i32 to index
        %get3A_601 = arith.constant 112 : index
        %get3A_602 = tpu.vector_load %arg5[%get3A_600, %get3A_601] {strides = array<i32>} : memref<200x128xi32, #tpu.memory_space<vmem>>, vector<16xi32>,
        %not3A_603 = arith.constant dense<-1> : vector<16xi32>
        %not3A_604 = arith.xori %get3A_602, %not3A_603 : vector<16xi32>
        %swap3A_605 = arith.constant 112 : index
        %swap3A_606 = tpu.vector_load %arg6[%swap3A_605] {strides = array<i32>} : memref<128xi32, #tpu.memory_space<vmem>>, vector<16xi32>,
        tpu.vector_store %arg6[%swap3A_605], %not3A_604 {strides = array<i32>} : memref<128xi32, #tpu.memory_space<vmem>>, vector<16xi32>,
        %dma_start3A_607 = arith.constant 0 : i32
        %dma_start3A_608 = arith.constant 0 : i32
        %dma_start3A_609 = tpu.memref_slice %arg3[%dma_start3A_607, %dma_start3A_608] : memref<100000x64xf32, #tpu.memory_space<hbm>> -> memref<100000x64xf32, #tpu.memory_space<hbm>>
        tpu.enqueue_indirect_dma source(%dma_start3A_609 : memref<100000x64xf32, #tpu.memory_space<hbm>>) target(%arg10 : memref<128x64xf32, #tpu.memory_space<vmem>>) offsets(%arg6 : memref<128xi32, #tpu.memory_space<vmem>>) semaphore(%arg18 : memref<!tpu.dma_semaphore, #tpu.memory_space<semaphore_mem>>)
      } else {
      }
      %mul3A_429 = arith.constant 4 : i32
      %mul3A_430 = arith.muli %mul3A_429, %scan3A_393 : i32
      %add3A_431 = arith.constant 1 : i32
      %add3A_432 = arith.addi %mul3A_430, %add3A_431 : i32
      %dma_wait3A_433 = arith.constant 0 : i32
      %dma_wait3A_434 = arith.constant 0 : i32
      %dma_wait3A_435 = tpu.memref_slice %arg3[%dma_wait3A_433, %dma_wait3A_434] : memref<100000x64xf32, #tpu.memory_space<hbm>> -> memref<100000x64xf32, #tpu.memory_space<hbm>>
      tpu.wait_indirect_dma semaphore(%arg19 : memref<!tpu.dma_semaphore, #tpu.memory_space<semaphore_mem>>) src(%dma_wait3A_435 : memref<100000x64xf32, #tpu.memory_space<hbm>>) dst(%arg11 : memref<128x64xf32, #tpu.memory_space<vmem>>)
      %gt3A_436 = arith.constant 0 : i32
      %gt3A_437 = arith.cmpi sgt, %scan3A_393, %gt3A_436 : i32
      %convert_element_type3A_438 = arith.extui %gt3A_437 : i1 to i32
      %cond3A_439 = arith.constant 0 : i32
      %cond3A_440 = arith.cmpi ne, %convert_element_type3A_438, %cond3A_439 : i32
      scf.if %cond3A_440 {
        %dma_wait3A_549 = arith.constant 0 : i32
        %dma_wait3A_550 = arith.constant 0 : i32
        %dma_wait3A_551 = arith.constant 0 : i32
        %dma_wait3A_552 = arith.constant 0 : i32
        %dma_wait3A_553 = tpu.memref_slice %arg15[%dma_wait3A_550, %dma_wait3A_551, %dma_wait3A_552] : memref<8x8x129xf32, #tpu.memory_space<vmem>> -> memref<8x8x128xf32, #tpu.memory_space<vmem>>
        %dma_wait3A_554 = arith.constant 0 : i32
        %dma_wait3A_555 = arith.constant 0 : i32
        %dma_wait3A_556 = arith.constant 0 : i32
        %dma_wait3A_557 = tpu.memref_slice %arg4[%dma_wait3A_549, %dma_wait3A_554, %add3A, %dma_wait3A_555, %dma_wait3A_556] : memref<200x8x32x8x128xf32, #tpu.memory_space<hbm>> -> memref<1x8x1x8x128xf32, #tpu.memory_space<hbm>>
        %dma_wait3A_558 = tpu.memref_squeeze %dma_wait3A_557 : memref<1x8x1x8x128xf32, #tpu.memory_space<hbm>> -> memref<8x8x128xf32, #tpu.memory_space<hbm>>
        %dma_wait3A_559 = arith.constant 0 : i32
        %dma_wait3A_560 = arith.constant 0 : i32
        %dma_wait3A_561 = arith.constant 0 : i32
        %dma_wait3A_562 = tpu.memref_slice %arg4[%dma_wait3A_549, %dma_wait3A_559, %add3A, %dma_wait3A_560, %dma_wait3A_561] : memref<200x8x32x8x128xf32, #tpu.memory_space<hbm>> -> memref<1x8x1x8x128xf32, #tpu.memory_space<hbm>>
        %dma_wait3A_563 = tpu.memref_squeeze %dma_wait3A_562 : memref<1x8x1x8x128xf32, #tpu.memory_space<hbm>> -> memref<8x8x128xf32, #tpu.memory_space<hbm>>
        %dma_wait3A_564 = arith.constant 0 : i32
        %dma_wait3A_565 = arith.constant 0 : i32
        %dma_wait3A_566 = arith.constant 0 : i32
        %dma_wait3A_567 = tpu.memref_slice %arg15[%dma_wait3A_564, %dma_wait3A_565, %dma_wait3A_566] : memref<8x8x129xf32, #tpu.memory_space<vmem>> -> memref<8x8x128xf32, #tpu.memory_space<vmem>>
        tpu.wait_dma2 semaphore(%arg23 : memref<!tpu.dma_semaphore, #tpu.memory_space<semaphore_mem>>) src(%dma_wait3A_567 : memref<8x8x128xf32, #tpu.memory_space<vmem>>) dst(%dma_wait3A_563 : memref<8x8x128xf32, #tpu.memory_space<hbm>>)
      } else {
      }
      %parallel_loop3A_441 = arith.constant 0 : i32
      %parallel_loop3A_442 = arith.constant 128 : i32
      %parallel_loop3A_443 = arith.constant 1 : i32
      scf.for %parallel_loop3A_549 = %parallel_loop3A_441 to %parallel_loop3A_442 step %parallel_loop3A_443  : i32 {
        %parallel_loop3A_550 = arith.constant 0 : i32
        %parallel_loop3A_551 = vector.broadcast %parallel_loop3A_550 : i32 to vector<16xi32>
        %parallel_loop3A_552 = vector.broadcast %parallel_loop3A_549 : i32 to vector<16xi32>
        %parallel_loop3A_553 = arith.addi %parallel_loop3A_551, %parallel_loop3A_552 : vector<16xi32>
        %parallel_loop3A_554 = arith.index_cast %parallel_loop3A_549 : i32 to index
        %parallel_loop3A_555 = arith.constant 0 : index
        %parallel_loop3A_556 = tpu.vector_load %arg11[%parallel_loop3A_554, %parallel_loop3A_555] {strides = array<i32>} : memref<128x64xf32, #tpu.memory_space<vmem>>, vector<16xf32>,
        %parallel_loop3A_557 = arith.index_cast %parallel_loop3A_549 : i32 to index
        %parallel_loop3A_558 = arith.constant 16 : index
        %parallel_loop3A_559 = tpu.vector_load %arg11[%parallel_loop3A_557, %parallel_loop3A_558] {strides = array<i32>} : memref<128x64xf32, #tpu.memory_space<vmem>>, vector<16xf32>,
        %parallel_loop3A_560 = arith.index_cast %parallel_loop3A_549 : i32 to index
        %parallel_loop3A_561 = arith.constant 32 : index
        %parallel_loop3A_562 = tpu.vector_load %arg11[%parallel_loop3A_560, %parallel_loop3A_561] {strides = array<i32>} : memref<128x64xf32, #tpu.memory_space<vmem>>, vector<16xf32>,
        %parallel_loop3A_563 = arith.index_cast %parallel_loop3A_549 : i32 to index
        %parallel_loop3A_564 = arith.constant 48 : index
        %parallel_loop3A_565 = tpu.vector_load %arg11[%parallel_loop3A_563, %parallel_loop3A_564] {strides = array<i32>} : memref<128x64xf32, #tpu.memory_space<vmem>>, vector<16xf32>,
        tpu.vector_store_idx %arg15[%shift_right_arithmetic3A_7, %and3A_30, %parallel_loop3A_553], %parallel_loop3A_556 : memref<8x8x129xf32, #tpu.memory_space<vmem>>[vector<16xi32>, vector<16xi32>, vector<16xi32>], vector<16xf32>,
        tpu.vector_store_idx %arg15[%shift_right_arithmetic3A_13, %and3A_36, %parallel_loop3A_553], %parallel_loop3A_559 : memref<8x8x129xf32, #tpu.memory_space<vmem>>[vector<16xi32>, vector<16xi32>, vector<16xi32>], vector<16xf32>,
        tpu.vector_store_idx %arg15[%shift_right_arithmetic3A_19, %and3A_42, %parallel_loop3A_553], %parallel_loop3A_562 : memref<8x8x129xf32, #tpu.memory_space<vmem>>[vector<16xi32>, vector<16xi32>, vector<16xi32>], vector<16xf32>,
        tpu.vector_store_idx %arg15[%shift_right_arithmetic3A_25, %and3A_48, %parallel_loop3A_553], %parallel_loop3A_565 : memref<8x8x129xf32, #tpu.memory_space<vmem>>[vector<16xi32>, vector<16xi32>, vector<16xi32>], vector<16xf32>,
      } {sc.loop_unroll_factor = 4 : i64, sc.parallel_access}
      %dma_start3A_444 = arith.constant 0 : i32
      %dma_start3A_445 = arith.constant 0 : i32
      %dma_start3A_446 = arith.constant 0 : i32
      %dma_start3A_447 = tpu.memref_slice %arg15[%dma_start3A_444, %dma_start3A_445, %dma_start3A_446] : memref<8x8x129xf32, #tpu.memory_space<vmem>> -> memref<8x8x128xf32, #tpu.memory_space<vmem>>
      %dma_start3A_448 = arith.constant 0 : i32
      %dma_start3A_449 = arith.constant 0 : i32
      %dma_start3A_450 = arith.constant 0 : i32
      %dma_start3A_451 = tpu.memref_slice %arg4[%add3A_432, %dma_start3A_448, %add3A, %dma_start3A_449, %dma_start3A_450] : memref<200x8x32x8x128xf32, #tpu.memory_space<hbm>> -> memref<1x8x1x8x128xf32, #tpu.memory_space<hbm>>
      %dma_start3A_452 = tpu.memref_squeeze %dma_start3A_451 : memref<1x8x1x8x128xf32, #tpu.memory_space<hbm>> -> memref<8x8x128xf32, #tpu.memory_space<hbm>>
      %dma_start3A_453 = arith.constant 0 : i32
      %dma_start3A_454 = arith.constant 0 : i32
      %dma_start3A_455 = arith.constant 0 : i32
      %dma_start3A_456 = tpu.memref_slice %arg4[%add3A_432, %dma_start3A_453, %add3A, %dma_start3A_454, %dma_start3A_455] : memref<200x8x32x8x128xf32, #tpu.memory_space<hbm>> -> memref<1x8x1x8x128xf32, #tpu.memory_space<hbm>>
      %dma_start3A_457 = tpu.memref_squeeze %dma_start3A_456 : memref<1x8x1x8x128xf32, #tpu.memory_space<hbm>> -> memref<8x8x128xf32, #tpu.memory_space<hbm>>
      %dma_start3A_458 = arith.constant 0 : i32
      %dma_start3A_459 = arith.constant 0 : i32
      %dma_start3A_460 = arith.constant 0 : i32
      %dma_start3A_461 = tpu.memref_slice %arg15[%dma_start3A_458, %dma_start3A_459, %dma_start3A_460] : memref<8x8x129xf32, #tpu.memory_space<vmem>> -> memref<8x8x128xf32, #tpu.memory_space<vmem>>
      tpu.enqueue_dma source(%dma_start3A_461 : memref<8x8x128xf32, #tpu.memory_space<vmem>>) target(%dma_start3A_457 : memref<8x8x128xf32, #tpu.memory_space<hbm>>) target_semaphore(%arg23 : memref<!tpu.dma_semaphore, #tpu.memory_space<semaphore_mem>>)
      %add3A_462 = arith.constant 1 : i32
      %add3A_463 = arith.addi %scan3A_393, %add3A_462 : i32
      %lt3A_464 = arith.constant 50 : i32
      %lt3A_465 = arith.cmpi slt, %add3A_463, %lt3A_464 : i32
      %convert_element_type3A_466 = arith.extui %lt3A_465 : i1 to i32
      %cond3A_467 = arith.constant 0 : i32
      %cond3A_468 = arith.cmpi ne, %convert_element_type3A_466, %cond3A_467 : i32
      scf.if %cond3A_468 {
        %add3A_549 = arith.constant 4 : i32
        %add3A_550 = arith.addi %add3A_432, %add3A_549 : i32
        %get3A_551 = arith.index_cast %add3A_550 : i32 to index
        %get3A_552 = arith.constant 0 : index
        %get3A_553 = tpu.vector_load %arg5[%get3A_551, %get3A_552] {strides = array<i32>} : memref<200x128xi32, #tpu.memory_space<vmem>>, vector<16xi32>,
        %not3A_554 = arith.constant dense<-1> : vector<16xi32>
        %not3A_555 = arith.xori %get3A_553, %not3A_554 : vector<16xi32>
        %swap3A_556 = arith.constant 0 : index
        %swap3A_557 = tpu.vector_load %arg7[%swap3A_556] {strides = array<i32>} : memref<128xi32, #tpu.memory_space<vmem>>, vector<16xi32>,
        tpu.vector_store %arg7[%swap3A_556], %not3A_555 {strides = array<i32>} : memref<128xi32, #tpu.memory_space<vmem>>, vector<16xi32>,
        %get3A_558 = arith.index_cast %add3A_550 : i32 to index
        %get3A_559 = arith.constant 16 : index
        %get3A_560 = tpu.vector_load %arg5[%get3A_558, %get3A_559] {strides = array<i32>} : memref<200x128xi32, #tpu.memory_space<vmem>>, vector<16xi32>,
        %not3A_561 = arith.constant dense<-1> : vector<16xi32>
        %not3A_562 = arith.xori %get3A_560, %not3A_561 : vector<16xi32>
        %swap3A_563 = arith.constant 16 : index
        %swap3A_564 = tpu.vector_load %arg7[%swap3A_563] {strides = array<i32>} : memref<128xi32, #tpu.memory_space<vmem>>, vector<16xi32>,
        tpu.vector_store %arg7[%swap3A_563], %not3A_562 {strides = array<i32>} : memref<128xi32, #tpu.memory_space<vmem>>, vector<16xi32>,
        %get3A_565 = arith.index_cast %add3A_550 : i32 to index
        %get3A_566 = arith.constant 32 : index
        %get3A_567 = tpu.vector_load %arg5[%get3A_565, %get3A_566] {strides = array<i32>} : memref<200x128xi32, #tpu.memory_space<vmem>>, vector<16xi32>,
        %not3A_568 = arith.constant dense<-1> : vector<16xi32>
        %not3A_569 = arith.xori %get3A_567, %not3A_568 : vector<16xi32>
        %swap3A_570 = arith.constant 32 : index
        %swap3A_571 = tpu.vector_load %arg7[%swap3A_570] {strides = array<i32>} : memref<128xi32, #tpu.memory_space<vmem>>, vector<16xi32>,
        tpu.vector_store %arg7[%swap3A_570], %not3A_569 {strides = array<i32>} : memref<128xi32, #tpu.memory_space<vmem>>, vector<16xi32>,
        %get3A_572 = arith.index_cast %add3A_550 : i32 to index
        %get3A_573 = arith.constant 48 : index
        %get3A_574 = tpu.vector_load %arg5[%get3A_572, %get3A_573] {strides = array<i32>} : memref<200x128xi32, #tpu.memory_space<vmem>>, vector<16xi32>,
        %not3A_575 = arith.constant dense<-1> : vector<16xi32>
        %not3A_576 = arith.xori %get3A_574, %not3A_575 : vector<16xi32>
        %swap3A_577 = arith.constant 48 : index
        %swap3A_578 = tpu.vector_load %arg7[%swap3A_577] {strides = array<i32>} : memref<128xi32, #tpu.memory_space<vmem>>, vector<16xi32>,
        tpu.vector_store %arg7[%swap3A_577], %not3A_576 {strides = array<i32>} : memref<128xi32, #tpu.memory_space<vmem>>, vector<16xi32>,
        %get3A_579 = arith.index_cast %add3A_550 : i32 to index
        %get3A_580 = arith.constant 64 : index
        %get3A_581 = tpu.vector_load %arg5[%get3A_579, %get3A_580] {strides = array<i32>} : memref<200x128xi32, #tpu.memory_space<vmem>>, vector<16xi32>,
        %not3A_582 = arith.constant dense<-1> : vector<16xi32>
        %not3A_583 = arith.xori %get3A_581, %not3A_582 : vector<16xi32>
        %swap3A_584 = arith.constant 64 : index
        %swap3A_585 = tpu.vector_load %arg7[%swap3A_584] {strides = array<i32>} : memref<128xi32, #tpu.memory_space<vmem>>, vector<16xi32>,
        tpu.vector_store %arg7[%swap3A_584], %not3A_583 {strides = array<i32>} : memref<128xi32, #tpu.memory_space<vmem>>, vector<16xi32>,
        %get3A_586 = arith.index_cast %add3A_550 : i32 to index
        %get3A_587 = arith.constant 80 : index
        %get3A_588 = tpu.vector_load %arg5[%get3A_586, %get3A_587] {strides = array<i32>} : memref<200x128xi32, #tpu.memory_space<vmem>>, vector<16xi32>,
        %not3A_589 = arith.constant dense<-1> : vector<16xi32>
        %not3A_590 = arith.xori %get3A_588, %not3A_589 : vector<16xi32>
        %swap3A_591 = arith.constant 80 : index
        %swap3A_592 = tpu.vector_load %arg7[%swap3A_591] {strides = array<i32>} : memref<128xi32, #tpu.memory_space<vmem>>, vector<16xi32>,
        tpu.vector_store %arg7[%swap3A_591], %not3A_590 {strides = array<i32>} : memref<128xi32, #tpu.memory_space<vmem>>, vector<16xi32>,
        %get3A_593 = arith.index_cast %add3A_550 : i32 to index
        %get3A_594 = arith.constant 96 : index
        %get3A_595 = tpu.vector_load %arg5[%get3A_593, %get3A_594] {strides = array<i32>} : memref<200x128xi32, #tpu.memory_space<vmem>>, vector<16xi32>,
        %not3A_596 = arith.constant dense<-1> : vector<16xi32>
        %not3A_597 = arith.xori %get3A_595, %not3A_596 : vector<16xi32>
        %swap3A_598 = arith.constant 96 : index
        %swap3A_599 = tpu.vector_load %arg7[%swap3A_598] {strides = array<i32>} : memref<128xi32, #tpu.memory_space<vmem>>, vector<16xi32>,
        tpu.vector_store %arg7[%swap3A_598], %not3A_597 {strides = array<i32>} : memref<128xi32, #tpu.memory_space<vmem>>, vector<16xi32>,
        %get3A_600 = arith.index_cast %add3A_550 : i32 to index
        %get3A_601 = arith.constant 112 : index
        %get3A_602 = tpu.vector_load %arg5[%get3A_600, %get3A_601] {strides = array<i32>} : memref<200x128xi32, #tpu.memory_space<vmem>>, vector<16xi32>,
        %not3A_603 = arith.constant dense<-1> : vector<16xi32>
        %not3A_604 = arith.xori %get3A_602, %not3A_603 : vector<16xi32>
        %swap3A_605 = arith.constant 112 : index
        %swap3A_606 = tpu.vector_load %arg7[%swap3A_605] {strides = array<i32>} : memref<128xi32, #tpu.memory_space<vmem>>, vector<16xi32>,
        tpu.vector_store %arg7[%swap3A_605], %not3A_604 {strides = array<i32>} : memref<128xi32, #tpu.memory_space<vmem>>, vector<16xi32>,
        %dma_start3A_607 = arith.constant 0 : i32
        %dma_start3A_608 = arith.constant 0 : i32
        %dma_start3A_609 = tpu.memref_slice %arg3[%dma_start3A_607, %dma_start3A_608] : memref<100000x64xf32, #tpu.memory_space<hbm>> -> memref<100000x64xf32, #tpu.memory_space<hbm>>
        tpu.enqueue_indirect_dma source(%dma_start3A_609 : memref<100000x64xf32, #tpu.memory_space<hbm>>) target(%arg11 : memref<128x64xf32, #tpu.memory_space<vmem>>) offsets(%arg7 : memref<128xi32, #tpu.memory_space<vmem>>) semaphore(%arg19 : memref<!tpu.dma_semaphore, #tpu.memory_space<semaphore_mem>>)
      } else {
      }
      %mul3A_469 = arith.constant 4 : i32
      %mul3A_470 = arith.muli %mul3A_469, %scan3A_393 : i32
      %add3A_471 = arith.constant 2 : i32
      %add3A_472 = arith.addi %mul3A_470, %add3A_471 : i32
      %dma_wait3A_473 = arith.constant 0 : i32
      %dma_wait3A_474 = arith.constant 0 : i32
      %dma_wait3A_475 = tpu.memref_slice %arg3[%dma_wait3A_473, %dma_wait3A_474] : memref<100000x64xf32, #tpu.memory_space<hbm>> -> memref<100000x64xf32, #tpu.memory_space<hbm>>
      tpu.wait_indirect_dma semaphore(%arg20 : memref<!tpu.dma_semaphore, #tpu.memory_space<semaphore_mem>>) src(%dma_wait3A_475 : memref<100000x64xf32, #tpu.memory_space<hbm>>) dst(%arg12 : memref<128x64xf32, #tpu.memory_space<vmem>>)
      %gt3A_476 = arith.constant 0 : i32
      %gt3A_477 = arith.cmpi sgt, %scan3A_393, %gt3A_476 : i32
      %convert_element_type3A_478 = arith.extui %gt3A_477 : i1 to i32
      %cond3A_479 = arith.constant 0 : i32
      %cond3A_480 = arith.cmpi ne, %convert_element_type3A_478, %cond3A_479 : i32
      scf.if %cond3A_480 {
        %dma_wait3A_549 = arith.constant 0 : i32
        %dma_wait3A_550 = arith.constant 0 : i32
        %dma_wait3A_551 = arith.constant 0 : i32
        %dma_wait3A_552 = arith.constant 0 : i32
        %dma_wait3A_553 = tpu.memref_slice %arg16[%dma_wait3A_550, %dma_wait3A_551, %dma_wait3A_552] : memref<8x8x129xf32, #tpu.memory_space<vmem>> -> memref<8x8x128xf32, #tpu.memory_space<vmem>>
        %dma_wait3A_554 = arith.constant 0 : i32
        %dma_wait3A_555 = arith.constant 0 : i32
        %dma_wait3A_556 = arith.constant 0 : i32
        %dma_wait3A_557 = tpu.memref_slice %arg4[%dma_wait3A_549, %dma_wait3A_554, %add3A, %dma_wait3A_555, %dma_wait3A_556] : memref<200x8x32x8x128xf32, #tpu.memory_space<hbm>> -> memref<1x8x1x8x128xf32, #tpu.memory_space<hbm>>
        %dma_wait3A_558 = tpu.memref_squeeze %dma_wait3A_557 : memref<1x8x1x8x128xf32, #tpu.memory_space<hbm>> -> memref<8x8x128xf32, #tpu.memory_space<hbm>>
        %dma_wait3A_559 = arith.constant 0 : i32
        %dma_wait3A_560 = arith.constant 0 : i32
        %dma_wait3A_561 = arith.constant 0 : i32
        %dma_wait3A_562 = tpu.memref_slice %arg4[%dma_wait3A_549, %dma_wait3A_559, %add3A, %dma_wait3A_560, %dma_wait3A_561] : memref<200x8x32x8x128xf32, #tpu.memory_space<hbm>> -> memref<1x8x1x8x128xf32, #tpu.memory_space<hbm>>
        %dma_wait3A_563 = tpu.memref_squeeze %dma_wait3A_562 : memref<1x8x1x8x128xf32, #tpu.memory_space<hbm>> -> memref<8x8x128xf32, #tpu.memory_space<hbm>>
        %dma_wait3A_564 = arith.constant 0 : i32
        %dma_wait3A_565 = arith.constant 0 : i32
        %dma_wait3A_566 = arith.constant 0 : i32
        %dma_wait3A_567 = tpu.memref_slice %arg16[%dma_wait3A_564, %dma_wait3A_565, %dma_wait3A_566] : memref<8x8x129xf32, #tpu.memory_space<vmem>> -> memref<8x8x128xf32, #tpu.memory_space<vmem>>
        tpu.wait_dma2 semaphore(%arg24 : memref<!tpu.dma_semaphore, #tpu.memory_space<semaphore_mem>>) src(%dma_wait3A_567 : memref<8x8x128xf32, #tpu.memory_space<vmem>>) dst(%dma_wait3A_563 : memref<8x8x128xf32, #tpu.memory_space<hbm>>)
      } else {
      }
      %parallel_loop3A_481 = arith.constant 0 : i32
      %parallel_loop3A_482 = arith.constant 128 : i32
      %parallel_loop3A_483 = arith.constant 1 : i32
      scf.for %parallel_loop3A_549 = %parallel_loop3A_481 to %parallel_loop3A_482 step %parallel_loop3A_483  : i32 {
        %parallel_loop3A_550 = arith.constant 0 : i32
        %parallel_loop3A_551 = vector.broadcast %parallel_loop3A_550 : i32 to vector<16xi32>
        %parallel_loop3A_552 = vector.broadcast %parallel_loop3A_549 : i32 to vector<16xi32>
        %parallel_loop3A_553 = arith.addi %parallel_loop3A_551, %parallel_loop3A_552 : vector<16xi32>
        %parallel_loop3A_554 = arith.index_cast %parallel_loop3A_549 : i32 to index
        %parallel_loop3A_555 = arith.constant 0 : index
        %parallel_loop3A_556 = tpu.vector_load %arg12[%parallel_loop3A_554, %parallel_loop3A_555] {strides = array<i32>} : memref<128x64xf32, #tpu.memory_space<vmem>>, vector<16xf32>,
        %parallel_loop3A_557 = arith.index_cast %parallel_loop3A_549 : i32 to index
        %parallel_loop3A_558 = arith.constant 16 : index
        %parallel_loop3A_559 = tpu.vector_load %arg12[%parallel_loop3A_557, %parallel_loop3A_558] {strides = array<i32>} : memref<128x64xf32, #tpu.memory_space<vmem>>, vector<16xf32>,
        %parallel_loop3A_560 = arith.index_cast %parallel_loop3A_549 : i32 to index
        %parallel_loop3A_561 = arith.constant 32 : index
        %parallel_loop3A_562 = tpu.vector_load %arg12[%parallel_loop3A_560, %parallel_loop3A_561] {strides = array<i32>} : memref<128x64xf32, #tpu.memory_space<vmem>>, vector<16xf32>,
        %parallel_loop3A_563 = arith.index_cast %parallel_loop3A_549 : i32 to index
        %parallel_loop3A_564 = arith.constant 48 : index
        %parallel_loop3A_565 = tpu.vector_load %arg12[%parallel_loop3A_563, %parallel_loop3A_564] {strides = array<i32>} : memref<128x64xf32, #tpu.memory_space<vmem>>, vector<16xf32>,
        tpu.vector_store_idx %arg16[%shift_right_arithmetic3A_7, %and3A_30, %parallel_loop3A_553], %parallel_loop3A_556 : memref<8x8x129xf32, #tpu.memory_space<vmem>>[vector<16xi32>, vector<16xi32>, vector<16xi32>], vector<16xf32>,
        tpu.vector_store_idx %arg16[%shift_right_arithmetic3A_13, %and3A_36, %parallel_loop3A_553], %parallel_loop3A_559 : memref<8x8x129xf32, #tpu.memory_space<vmem>>[vector<16xi32>, vector<16xi32>, vector<16xi32>], vector<16xf32>,
        tpu.vector_store_idx %arg16[%shift_right_arithmetic3A_19, %and3A_42, %parallel_loop3A_553], %parallel_loop3A_562 : memref<8x8x129xf32, #tpu.memory_space<vmem>>[vector<16xi32>, vector<16xi32>, vector<16xi32>], vector<16xf32>,
        tpu.vector_store_idx %arg16[%shift_right_arithmetic3A_25, %and3A_48, %parallel_loop3A_553], %parallel_loop3A_565 : memref<8x8x129xf32, #tpu.memory_space<vmem>>[vector<16xi32>, vector<16xi32>, vector<16xi32>], vector<16xf32>,
      } {sc.loop_unroll_factor = 4 : i64, sc.parallel_access}
      %dma_start3A_484 = arith.constant 0 : i32
      %dma_start3A_485 = arith.constant 0 : i32
      %dma_start3A_486 = arith.constant 0 : i32
      %dma_start3A_487 = tpu.memref_slice %arg16[%dma_start3A_484, %dma_start3A_485, %dma_start3A_486] : memref<8x8x129xf32, #tpu.memory_space<vmem>> -> memref<8x8x128xf32, #tpu.memory_space<vmem>>
      %dma_start3A_488 = arith.constant 0 : i32
      %dma_start3A_489 = arith.constant 0 : i32
      %dma_start3A_490 = arith.constant 0 : i32
      %dma_start3A_491 = tpu.memref_slice %arg4[%add3A_472, %dma_start3A_488, %add3A, %dma_start3A_489, %dma_start3A_490] : memref<200x8x32x8x128xf32, #tpu.memory_space<hbm>> -> memref<1x8x1x8x128xf32, #tpu.memory_space<hbm>>
      %dma_start3A_492 = tpu.memref_squeeze %dma_start3A_491 : memref<1x8x1x8x128xf32, #tpu.memory_space<hbm>> -> memref<8x8x128xf32, #tpu.memory_space<hbm>>
      %dma_start3A_493 = arith.constant 0 : i32
      %dma_start3A_494 = arith.constant 0 : i32
      %dma_start3A_495 = arith.constant 0 : i32
      %dma_start3A_496 = tpu.memref_slice %arg4[%add3A_472, %dma_start3A_493, %add3A, %dma_start3A_494, %dma_start3A_495] : memref<200x8x32x8x128xf32, #tpu.memory_space<hbm>> -> memref<1x8x1x8x128xf32, #tpu.memory_space<hbm>>
      %dma_start3A_497 = tpu.memref_squeeze %dma_start3A_496 : memref<1x8x1x8x128xf32, #tpu.memory_space<hbm>> -> memref<8x8x128xf32, #tpu.memory_space<hbm>>
      %dma_start3A_498 = arith.constant 0 : i32
      %dma_start3A_499 = arith.constant 0 : i32
      %dma_start3A_500 = arith.constant 0 : i32
      %dma_start3A_501 = tpu.memref_slice %arg16[%dma_start3A_498, %dma_start3A_499, %dma_start3A_500] : memref<8x8x129xf32, #tpu.memory_space<vmem>> -> memref<8x8x128xf32, #tpu.memory_space<vmem>>
      tpu.enqueue_dma source(%dma_start3A_501 : memref<8x8x128xf32, #tpu.memory_space<vmem>>) target(%dma_start3A_497 : memref<8x8x128xf32, #tpu.memory_space<hbm>>) target_semaphore(%arg24 : memref<!tpu.dma_semaphore, #tpu.memory_space<semaphore_mem>>)
      %add3A_502 = arith.constant 1 : i32
      %add3A_503 = arith.addi %scan3A_393, %add3A_502 : i32
      %lt3A_504 = arith.constant 50 : i32
      %lt3A_505 = arith.cmpi slt, %add3A_503, %lt3A_504 : i32
      %convert_element_type3A_506 = arith.extui %lt3A_505 : i1 to i32
      %cond3A_507 = arith.constant 0 : i32
      %cond3A_508 = arith.cmpi ne, %convert_element_type3A_506, %cond3A_507 : i32
      scf.if %cond3A_508 {
        %add3A_549 = arith.constant 4 : i32
        %add3A_550 = arith.addi %add3A_472, %add3A_549 : i32
        %get3A_551 = arith.index_cast %add3A_550 : i32 to index
        %get3A_552 = arith.constant 0 : index
        %get3A_553 = tpu.vector_load %arg5[%get3A_551, %get3A_552] {strides = array<i32>} : memref<200x128xi32, #tpu.memory_space<vmem>>, vector<16xi32>,
        %not3A_554 = arith.constant dense<-1> : vector<16xi32>
        %not3A_555 = arith.xori %get3A_553, %not3A_554 : vector<16xi32>
        %swap3A_556 = arith.constant 0 : index
        %swap3A_557 = tpu.vector_load %arg8[%swap3A_556] {strides = array<i32>} : memref<128xi32, #tpu.memory_space<vmem>>, vector<16xi32>,
        tpu.vector_store %arg8[%swap3A_556], %not3A_555 {strides = array<i32>} : memref<128xi32, #tpu.memory_space<vmem>>, vector<16xi32>,
        %get3A_558 = arith.index_cast %add3A_550 : i32 to index
        %get3A_559 = arith.constant 16 : index
        %get3A_560 = tpu.vector_load %arg5[%get3A_558, %get3A_559] {strides = array<i32>} : memref<200x128xi32, #tpu.memory_space<vmem>>, vector<16xi32>,
        %not3A_561 = arith.constant dense<-1> : vector<16xi32>
        %not3A_562 = arith.xori %get3A_560, %not3A_561 : vector<16xi32>
        %swap3A_563 = arith.constant 16 : index
        %swap3A_564 = tpu.vector_load %arg8[%swap3A_563] {strides = array<i32>} : memref<128xi32, #tpu.memory_space<vmem>>, vector<16xi32>,
        tpu.vector_store %arg8[%swap3A_563], %not3A_562 {strides = array<i32>} : memref<128xi32, #tpu.memory_space<vmem>>, vector<16xi32>,
        %get3A_565 = arith.index_cast %add3A_550 : i32 to index
        %get3A_566 = arith.constant 32 : index
        %get3A_567 = tpu.vector_load %arg5[%get3A_565, %get3A_566] {strides = array<i32>} : memref<200x128xi32, #tpu.memory_space<vmem>>, vector<16xi32>,
        %not3A_568 = arith.constant dense<-1> : vector<16xi32>
        %not3A_569 = arith.xori %get3A_567, %not3A_568 : vector<16xi32>
        %swap3A_570 = arith.constant 32 : index
        %swap3A_571 = tpu.vector_load %arg8[%swap3A_570] {strides = array<i32>} : memref<128xi32, #tpu.memory_space<vmem>>, vector<16xi32>,
        tpu.vector_store %arg8[%swap3A_570], %not3A_569 {strides = array<i32>} : memref<128xi32, #tpu.memory_space<vmem>>, vector<16xi32>,
        %get3A_572 = arith.index_cast %add3A_550 : i32 to index
        %get3A_573 = arith.constant 48 : index
        %get3A_574 = tpu.vector_load %arg5[%get3A_572, %get3A_573] {strides = array<i32>} : memref<200x128xi32, #tpu.memory_space<vmem>>, vector<16xi32>,
        %not3A_575 = arith.constant dense<-1> : vector<16xi32>
        %not3A_576 = arith.xori %get3A_574, %not3A_575 : vector<16xi32>
        %swap3A_577 = arith.constant 48 : index
        %swap3A_578 = tpu.vector_load %arg8[%swap3A_577] {strides = array<i32>} : memref<128xi32, #tpu.memory_space<vmem>>, vector<16xi32>,
        tpu.vector_store %arg8[%swap3A_577], %not3A_576 {strides = array<i32>} : memref<128xi32, #tpu.memory_space<vmem>>, vector<16xi32>,
        %get3A_579 = arith.index_cast %add3A_550 : i32 to index
        %get3A_580 = arith.constant 64 : index
        %get3A_581 = tpu.vector_load %arg5[%get3A_579, %get3A_580] {strides = array<i32>} : memref<200x128xi32, #tpu.memory_space<vmem>>, vector<16xi32>,
        %not3A_582 = arith.constant dense<-1> : vector<16xi32>
        %not3A_583 = arith.xori %get3A_581, %not3A_582 : vector<16xi32>
        %swap3A_584 = arith.constant 64 : index
        %swap3A_585 = tpu.vector_load %arg8[%swap3A_584] {strides = array<i32>} : memref<128xi32, #tpu.memory_space<vmem>>, vector<16xi32>,
        tpu.vector_store %arg8[%swap3A_584], %not3A_583 {strides = array<i32>} : memref<128xi32, #tpu.memory_space<vmem>>, vector<16xi32>,
        %get3A_586 = arith.index_cast %add3A_550 : i32 to index
        %get3A_587 = arith.constant 80 : index
        %get3A_588 = tpu.vector_load %arg5[%get3A_586, %get3A_587] {strides = array<i32>} : memref<200x128xi32, #tpu.memory_space<vmem>>, vector<16xi32>,
        %not3A_589 = arith.constant dense<-1> : vector<16xi32>
        %not3A_590 = arith.xori %get3A_588, %not3A_589 : vector<16xi32>
        %swap3A_591 = arith.constant 80 : index
        %swap3A_592 = tpu.vector_load %arg8[%swap3A_591] {strides = array<i32>} : memref<128xi32, #tpu.memory_space<vmem>>, vector<16xi32>,
        tpu.vector_store %arg8[%swap3A_591], %not3A_590 {strides = array<i32>} : memref<128xi32, #tpu.memory_space<vmem>>, vector<16xi32>,
        %get3A_593 = arith.index_cast %add3A_550 : i32 to index
        %get3A_594 = arith.constant 96 : index
        %get3A_595 = tpu.vector_load %arg5[%get3A_593, %get3A_594] {strides = array<i32>} : memref<200x128xi32, #tpu.memory_space<vmem>>, vector<16xi32>,
        %not3A_596 = arith.constant dense<-1> : vector<16xi32>
        %not3A_597 = arith.xori %get3A_595, %not3A_596 : vector<16xi32>
        %swap3A_598 = arith.constant 96 : index
        %swap3A_599 = tpu.vector_load %arg8[%swap3A_598] {strides = array<i32>} : memref<128xi32, #tpu.memory_space<vmem>>, vector<16xi32>,
        tpu.vector_store %arg8[%swap3A_598], %not3A_597 {strides = array<i32>} : memref<128xi32, #tpu.memory_space<vmem>>, vector<16xi32>,
        %get3A_600 = arith.index_cast %add3A_550 : i32 to index
        %get3A_601 = arith.constant 112 : index
        %get3A_602 = tpu.vector_load %arg5[%get3A_600, %get3A_601] {strides = array<i32>} : memref<200x128xi32, #tpu.memory_space<vmem>>, vector<16xi32>,
        %not3A_603 = arith.constant dense<-1> : vector<16xi32>
        %not3A_604 = arith.xori %get3A_602, %not3A_603 : vector<16xi32>
        %swap3A_605 = arith.constant 112 : index
        %swap3A_606 = tpu.vector_load %arg8[%swap3A_605] {strides = array<i32>} : memref<128xi32, #tpu.memory_space<vmem>>, vector<16xi32>,
        tpu.vector_store %arg8[%swap3A_605], %not3A_604 {strides = array<i32>} : memref<128xi32, #tpu.memory_space<vmem>>, vector<16xi32>,
        %dma_start3A_607 = arith.constant 0 : i32
        %dma_start3A_608 = arith.constant 0 : i32
        %dma_start3A_609 = tpu.memref_slice %arg3[%dma_start3A_607, %dma_start3A_608] : memref<100000x64xf32, #tpu.memory_space<hbm>> -> memref<100000x64xf32, #tpu.memory_space<hbm>>
        tpu.enqueue_indirect_dma source(%dma_start3A_609 : memref<100000x64xf32, #tpu.memory_space<hbm>>) target(%arg12 : memref<128x64xf32, #tpu.memory_space<vmem>>) offsets(%arg8 : memref<128xi32, #tpu.memory_space<vmem>>) semaphore(%arg20 : memref<!tpu.dma_semaphore, #tpu.memory_space<semaphore_mem>>)
      } else {
      }
      %mul3A_509 = arith.constant 4 : i32
      %mul3A_510 = arith.muli %mul3A_509, %scan3A_393 : i32
      %add3A_511 = arith.constant 3 : i32
      %add3A_512 = arith.addi %mul3A_510, %add3A_511 : i32
      %dma_wait3A_513 = arith.constant 0 : i32
      %dma_wait3A_514 = arith.constant 0 : i32
      %dma_wait3A_515 = tpu.memref_slice %arg3[%dma_wait3A_513, %dma_wait3A_514] : memref<100000x64xf32, #tpu.memory_space<hbm>> -> memref<100000x64xf32, #tpu.memory_space<hbm>>
      tpu.wait_indirect_dma semaphore(%arg21 : memref<!tpu.dma_semaphore, #tpu.memory_space<semaphore_mem>>) src(%dma_wait3A_515 : memref<100000x64xf32, #tpu.memory_space<hbm>>) dst(%arg13 : memref<128x64xf32, #tpu.memory_space<vmem>>)
      %gt3A_516 = arith.constant 0 : i32
      %gt3A_517 = arith.cmpi sgt, %scan3A_393, %gt3A_516 : i32
      %convert_element_type3A_518 = arith.extui %gt3A_517 : i1 to i32
      %cond3A_519 = arith.constant 0 : i32
      %cond3A_520 = arith.cmpi ne, %convert_element_type3A_518, %cond3A_519 : i32
      scf.if %cond3A_520 {
        %dma_wait3A_549 = arith.constant 0 : i32
        %dma_wait3A_550 = arith.constant 0 : i32
        %dma_wait3A_551 = arith.constant 0 : i32
        %dma_wait3A_552 = arith.constant 0 : i32
        %dma_wait3A_553 = tpu.memref_slice %arg17[%dma_wait3A_550, %dma_wait3A_551, %dma_wait3A_552] : memref<8x8x129xf32, #tpu.memory_space<vmem>> -> memref<8x8x128xf32, #tpu.memory_space<vmem>>
        %dma_wait3A_554 = arith.constant 0 : i32
        %dma_wait3A_555 = arith.constant 0 : i32
        %dma_wait3A_556 = arith.constant 0 : i32
        %dma_wait3A_557 = tpu.memref_slice %arg4[%dma_wait3A_549, %dma_wait3A_554, %add3A, %dma_wait3A_555, %dma_wait3A_556] : memref<200x8x32x8x128xf32, #tpu.memory_space<hbm>> -> memref<1x8x1x8x128xf32, #tpu.memory_space<hbm>>
        %dma_wait3A_558 = tpu.memref_squeeze %dma_wait3A_557 : memref<1x8x1x8x128xf32, #tpu.memory_space<hbm>> -> memref<8x8x128xf32, #tpu.memory_space<hbm>>
        %dma_wait3A_559 = arith.constant 0 : i32
        %dma_wait3A_560 = arith.constant 0 : i32
        %dma_wait3A_561 = arith.constant 0 : i32
        %dma_wait3A_562 = tpu.memref_slice %arg4[%dma_wait3A_549, %dma_wait3A_559, %add3A, %dma_wait3A_560, %dma_wait3A_561] : memref<200x8x32x8x128xf32, #tpu.memory_space<hbm>> -> memref<1x8x1x8x128xf32, #tpu.memory_space<hbm>>
        %dma_wait3A_563 = tpu.memref_squeeze %dma_wait3A_562 : memref<1x8x1x8x128xf32, #tpu.memory_space<hbm>> -> memref<8x8x128xf32, #tpu.memory_space<hbm>>
        %dma_wait3A_564 = arith.constant 0 : i32
        %dma_wait3A_565 = arith.constant 0 : i32
        %dma_wait3A_566 = arith.constant 0 : i32
        %dma_wait3A_567 = tpu.memref_slice %arg17[%dma_wait3A_564, %dma_wait3A_565, %dma_wait3A_566] : memref<8x8x129xf32, #tpu.memory_space<vmem>> -> memref<8x8x128xf32, #tpu.memory_space<vmem>>
        tpu.wait_dma2 semaphore(%arg25 : memref<!tpu.dma_semaphore, #tpu.memory_space<semaphore_mem>>) src(%dma_wait3A_567 : memref<8x8x128xf32, #tpu.memory_space<vmem>>) dst(%dma_wait3A_563 : memref<8x8x128xf32, #tpu.memory_space<hbm>>)
      } else {
      }
      %parallel_loop3A_521 = arith.constant 0 : i32
      %parallel_loop3A_522 = arith.constant 128 : i32
      %parallel_loop3A_523 = arith.constant 1 : i32
      scf.for %parallel_loop3A_549 = %parallel_loop3A_521 to %parallel_loop3A_522 step %parallel_loop3A_523  : i32 {
        %parallel_loop3A_550 = arith.constant 0 : i32
        %parallel_loop3A_551 = vector.broadcast %parallel_loop3A_550 : i32 to vector<16xi32>
        %parallel_loop3A_552 = vector.broadcast %parallel_loop3A_549 : i32 to vector<16xi32>
        %parallel_loop3A_553 = arith.addi %parallel_loop3A_551, %parallel_loop3A_552 : vector<16xi32>
        %parallel_loop3A_554 = arith.index_cast %parallel_loop3A_549 : i32 to index
        %parallel_loop3A_555 = arith.constant 0 : index
        %parallel_loop3A_556 = tpu.vector_load %arg13[%parallel_loop3A_554, %parallel_loop3A_555] {strides = array<i32>} : memref<128x64xf32, #tpu.memory_space<vmem>>, vector<16xf32>,
        %parallel_loop3A_557 = arith.index_cast %parallel_loop3A_549 : i32 to index
        %parallel_loop3A_558 = arith.constant 16 : index
        %parallel_loop3A_559 = tpu.vector_load %arg13[%parallel_loop3A_557, %parallel_loop3A_558] {strides = array<i32>} : memref<128x64xf32, #tpu.memory_space<vmem>>, vector<16xf32>,
        %parallel_loop3A_560 = arith.index_cast %parallel_loop3A_549 : i32 to index
        %parallel_loop3A_561 = arith.constant 32 : index
        %parallel_loop3A_562 = tpu.vector_load %arg13[%parallel_loop3A_560, %parallel_loop3A_561] {strides = array<i32>} : memref<128x64xf32, #tpu.memory_space<vmem>>, vector<16xf32>,
        %parallel_loop3A_563 = arith.index_cast %parallel_loop3A_549 : i32 to index
        %parallel_loop3A_564 = arith.constant 48 : index
        %parallel_loop3A_565 = tpu.vector_load %arg13[%parallel_loop3A_563, %parallel_loop3A_564] {strides = array<i32>} : memref<128x64xf32, #tpu.memory_space<vmem>>, vector<16xf32>,
        tpu.vector_store_idx %arg17[%shift_right_arithmetic3A_7, %and3A_30, %parallel_loop3A_553], %parallel_loop3A_556 : memref<8x8x129xf32, #tpu.memory_space<vmem>>[vector<16xi32>, vector<16xi32>, vector<16xi32>], vector<16xf32>,
        tpu.vector_store_idx %arg17[%shift_right_arithmetic3A_13, %and3A_36, %parallel_loop3A_553], %parallel_loop3A_559 : memref<8x8x129xf32, #tpu.memory_space<vmem>>[vector<16xi32>, vector<16xi32>, vector<16xi32>], vector<16xf32>,
        tpu.vector_store_idx %arg17[%shift_right_arithmetic3A_19, %and3A_42, %parallel_loop3A_553], %parallel_loop3A_562 : memref<8x8x129xf32, #tpu.memory_space<vmem>>[vector<16xi32>, vector<16xi32>, vector<16xi32>], vector<16xf32>,
        tpu.vector_store_idx %arg17[%shift_right_arithmetic3A_25, %and3A_48, %parallel_loop3A_553], %parallel_loop3A_565 : memref<8x8x129xf32, #tpu.memory_space<vmem>>[vector<16xi32>, vector<16xi32>, vector<16xi32>], vector<16xf32>,
      } {sc.loop_unroll_factor = 4 : i64, sc.parallel_access}
      %dma_start3A_524 = arith.constant 0 : i32
      %dma_start3A_525 = arith.constant 0 : i32
      %dma_start3A_526 = arith.constant 0 : i32
      %dma_start3A_527 = tpu.memref_slice %arg17[%dma_start3A_524, %dma_start3A_525, %dma_start3A_526] : memref<8x8x129xf32, #tpu.memory_space<vmem>> -> memref<8x8x128xf32, #tpu.memory_space<vmem>>
      %dma_start3A_528 = arith.constant 0 : i32
      %dma_start3A_529 = arith.constant 0 : i32
      %dma_start3A_530 = arith.constant 0 : i32
      %dma_start3A_531 = tpu.memref_slice %arg4[%add3A_512, %dma_start3A_528, %add3A, %dma_start3A_529, %dma_start3A_530] : memref<200x8x32x8x128xf32, #tpu.memory_space<hbm>> -> memref<1x8x1x8x128xf32, #tpu.memory_space<hbm>>
      %dma_start3A_532 = tpu.memref_squeeze %dma_start3A_531 : memref<1x8x1x8x128xf32, #tpu.memory_space<hbm>> -> memref<8x8x128xf32, #tpu.memory_space<hbm>>
      %dma_start3A_533 = arith.constant 0 : i32
      %dma_start3A_534 = arith.constant 0 : i32
      %dma_start3A_535 = arith.constant 0 : i32
      %dma_start3A_536 = tpu.memref_slice %arg4[%add3A_512, %dma_start3A_533, %add3A, %dma_start3A_534, %dma_start3A_535] : memref<200x8x32x8x128xf32, #tpu.memory_space<hbm>> -> memref<1x8x1x8x128xf32, #tpu.memory_space<hbm>>
      %dma_start3A_537 = tpu.memref_squeeze %dma_start3A_536 : memref<1x8x1x8x128xf32, #tpu.memory_space<hbm>> -> memref<8x8x128xf32, #tpu.memory_space<hbm>>
      %dma_start3A_538 = arith.constant 0 : i32
      %dma_start3A_539 = arith.constant 0 : i32
      %dma_start3A_540 = arith.constant 0 : i32
      %dma_start3A_541 = tpu.memref_slice %arg17[%dma_start3A_538, %dma_start3A_539, %dma_start3A_540] : memref<8x8x129xf32, #tpu.memory_space<vmem>> -> memref<8x8x128xf32, #tpu.memory_space<vmem>>
      tpu.enqueue_dma source(%dma_start3A_541 : memref<8x8x128xf32, #tpu.memory_space<vmem>>) target(%dma_start3A_537 : memref<8x8x128xf32, #tpu.memory_space<hbm>>) target_semaphore(%arg25 : memref<!tpu.dma_semaphore, #tpu.memory_space<semaphore_mem>>)
      %add3A_542 = arith.constant 1 : i32
      %add3A_543 = arith.addi %scan3A_393, %add3A_542 : i32
      %lt3A_544 = arith.constant 50 : i32
      %lt3A_545 = arith.cmpi slt, %add3A_543, %lt3A_544 : i32
      %convert_element_type3A_546 = arith.extui %lt3A_545 : i1 to i32
      %cond3A_547 = arith.constant 0 : i32
      %cond3A_548 = arith.cmpi ne, %convert_element_type3A_546, %cond3A_547 : i32
      scf.if %cond3A_548 {
        %add3A_549 = arith.constant 4 : i32
        %add3A_550 = arith.addi %add3A_512, %add3A_549 : i32
        %get3A_551 = arith.index_cast %add3A_550 : i32 to index
        %get3A_552 = arith.constant 0 : index
        %get3A_553 = tpu.vector_load %arg5[%get3A_551, %get3A_552] {strides = array<i32>} : memref<200x128xi32, #tpu.memory_space<vmem>>, vector<16xi32>,
        %not3A_554 = arith.constant dense<-1> : vector<16xi32>
        %not3A_555 = arith.xori %get3A_553, %not3A_554 : vector<16xi32>
        %swap3A_556 = arith.constant 0 : index
        %swap3A_557 = tpu.vector_load %arg9[%swap3A_556] {strides = array<i32>} : memref<128xi32, #tpu.memory_space<vmem>>, vector<16xi32>,
        tpu.vector_store %arg9[%swap3A_556], %not3A_555 {strides = array<i32>} : memref<128xi32, #tpu.memory_space<vmem>>, vector<16xi32>,
        %get3A_558 = arith.index_cast %add3A_550 : i32 to index
        %get3A_559 = arith.constant 16 : index
        %get3A_560 = tpu.vector_load %arg5[%get3A_558, %get3A_559] {strides = array<i32>} : memref<200x128xi32, #tpu.memory_space<vmem>>, vector<16xi32>,
        %not3A_561 = arith.constant dense<-1> : vector<16xi32>
        %not3A_562 = arith.xori %get3A_560, %not3A_561 : vector<16xi32>
        %swap3A_563 = arith.constant 16 : index
        %swap3A_564 = tpu.vector_load %arg9[%swap3A_563] {strides = array<i32>} : memref<128xi32, #tpu.memory_space<vmem>>, vector<16xi32>,
        tpu.vector_store %arg9[%swap3A_563], %not3A_562 {strides = array<i32>} : memref<128xi32, #tpu.memory_space<vmem>>, vector<16xi32>,
        %get3A_565 = arith.index_cast %add3A_550 : i32 to index
        %get3A_566 = arith.constant 32 : index
        %get3A_567 = tpu.vector_load %arg5[%get3A_565, %get3A_566] {strides = array<i32>} : memref<200x128xi32, #tpu.memory_space<vmem>>, vector<16xi32>,
        %not3A_568 = arith.constant dense<-1> : vector<16xi32>
        %not3A_569 = arith.xori %get3A_567, %not3A_568 : vector<16xi32>
        %swap3A_570 = arith.constant 32 : index
        %swap3A_571 = tpu.vector_load %arg9[%swap3A_570] {strides = array<i32>} : memref<128xi32, #tpu.memory_space<vmem>>, vector<16xi32>,
        tpu.vector_store %arg9[%swap3A_570], %not3A_569 {strides = array<i32>} : memref<128xi32, #tpu.memory_space<vmem>>, vector<16xi32>,
        %get3A_572 = arith.index_cast %add3A_550 : i32 to index
        %get3A_573 = arith.constant 48 : index
        %get3A_574 = tpu.vector_load %arg5[%get3A_572, %get3A_573] {strides = array<i32>} : memref<200x128xi32, #tpu.memory_space<vmem>>, vector<16xi32>,
        %not3A_575 = arith.constant dense<-1> : vector<16xi32>
        %not3A_576 = arith.xori %get3A_574, %not3A_575 : vector<16xi32>
        %swap3A_577 = arith.constant 48 : index
        %swap3A_578 = tpu.vector_load %arg9[%swap3A_577] {strides = array<i32>} : memref<128xi32, #tpu.memory_space<vmem>>, vector<16xi32>,
        tpu.vector_store %arg9[%swap3A_577], %not3A_576 {strides = array<i32>} : memref<128xi32, #tpu.memory_space<vmem>>, vector<16xi32>,
        %get3A_579 = arith.index_cast %add3A_550 : i32 to index
        %get3A_580 = arith.constant 64 : index
        %get3A_581 = tpu.vector_load %arg5[%get3A_579, %get3A_580] {strides = array<i32>} : memref<200x128xi32, #tpu.memory_space<vmem>>, vector<16xi32>,
        %not3A_582 = arith.constant dense<-1> : vector<16xi32>
        %not3A_583 = arith.xori %get3A_581, %not3A_582 : vector<16xi32>
        %swap3A_584 = arith.constant 64 : index
        %swap3A_585 = tpu.vector_load %arg9[%swap3A_584] {strides = array<i32>} : memref<128xi32, #tpu.memory_space<vmem>>, vector<16xi32>,
        tpu.vector_store %arg9[%swap3A_584], %not3A_583 {strides = array<i32>} : memref<128xi32, #tpu.memory_space<vmem>>, vector<16xi32>,
        %get3A_586 = arith.index_cast %add3A_550 : i32 to index
        %get3A_587 = arith.constant 80 : index
        %get3A_588 = tpu.vector_load %arg5[%get3A_586, %get3A_587] {strides = array<i32>} : memref<200x128xi32, #tpu.memory_space<vmem>>, vector<16xi32>,
        %not3A_589 = arith.constant dense<-1> : vector<16xi32>
        %not3A_590 = arith.xori %get3A_588, %not3A_589 : vector<16xi32>
        %swap3A_591 = arith.constant 80 : index
        %swap3A_592 = tpu.vector_load %arg9[%swap3A_591] {strides = array<i32>} : memref<128xi32, #tpu.memory_space<vmem>>, vector<16xi32>,
        tpu.vector_store %arg9[%swap3A_591], %not3A_590 {strides = array<i32>} : memref<128xi32, #tpu.memory_space<vmem>>, vector<16xi32>,
        %get3A_593 = arith.index_cast %add3A_550 : i32 to index
        %get3A_594 = arith.constant 96 : index
        %get3A_595 = tpu.vector_load %arg5[%get3A_593, %get3A_594] {strides = array<i32>} : memref<200x128xi32, #tpu.memory_space<vmem>>, vector<16xi32>,
        %not3A_596 = arith.constant dense<-1> : vector<16xi32>
        %not3A_597 = arith.xori %get3A_595, %not3A_596 : vector<16xi32>
        %swap3A_598 = arith.constant 96 : index
        %swap3A_599 = tpu.vector_load %arg9[%swap3A_598] {strides = array<i32>} : memref<128xi32, #tpu.memory_space<vmem>>, vector<16xi32>,
        tpu.vector_store %arg9[%swap3A_598], %not3A_597 {strides = array<i32>} : memref<128xi32, #tpu.memory_space<vmem>>, vector<16xi32>,
        %get3A_600 = arith.index_cast %add3A_550 : i32 to index
        %get3A_601 = arith.constant 112 : index
        %get3A_602 = tpu.vector_load %arg5[%get3A_600, %get3A_601] {strides = array<i32>} : memref<200x128xi32, #tpu.memory_space<vmem>>, vector<16xi32>,
        %not3A_603 = arith.constant dense<-1> : vector<16xi32>
        %not3A_604 = arith.xori %get3A_602, %not3A_603 : vector<16xi32>
        %swap3A_605 = arith.constant 112 : index
        %swap3A_606 = tpu.vector_load %arg9[%swap3A_605] {strides = array<i32>} : memref<128xi32, #tpu.memory_space<vmem>>, vector<16xi32>,
        tpu.vector_store %arg9[%swap3A_605], %not3A_604 {strides = array<i32>} : memref<128xi32, #tpu.memory_space<vmem>>, vector<16xi32>,
        %dma_start3A_607 = arith.constant 0 : i32
        %dma_start3A_608 = arith.constant 0 : i32
        %dma_start3A_609 = tpu.memref_slice %arg3[%dma_start3A_607, %dma_start3A_608] : memref<100000x64xf32, #tpu.memory_space<hbm>> -> memref<100000x64xf32, #tpu.memory_space<hbm>>
        tpu.enqueue_indirect_dma source(%dma_start3A_609 : memref<100000x64xf32, #tpu.memory_space<hbm>>) target(%arg13 : memref<128x64xf32, #tpu.memory_space<vmem>>) offsets(%arg9 : memref<128xi32, #tpu.memory_space<vmem>>) semaphore(%arg21 : memref<!tpu.dma_semaphore, #tpu.memory_space<semaphore_mem>>)
      } else {
      }
    }
    %scan3A_317 = arith.constant 50 : i32
    %dma_wait3A = arith.constant 0 : i32
    %dma_wait3A_318 = arith.constant 0 : i32
    %dma_wait3A_319 = arith.constant 0 : i32
    %dma_wait3A_320 = arith.constant 0 : i32
    %dma_wait3A_321 = tpu.memref_slice %arg14[%dma_wait3A_318, %dma_wait3A_319, %dma_wait3A_320] : memref<8x8x129xf32, #tpu.memory_space<vmem>> -> memref<8x8x128xf32, #tpu.memory_space<vmem>>
    %dma_wait3A_322 = arith.constant 0 : i32
    %dma_wait3A_323 = arith.constant 0 : i32
    %dma_wait3A_324 = arith.constant 0 : i32
    %dma_wait3A_325 = tpu.memref_slice %arg4[%dma_wait3A, %dma_wait3A_322, %add3A, %dma_wait3A_323, %dma_wait3A_324] : memref<200x8x32x8x128xf32, #tpu.memory_space<hbm>> -> memref<1x8x1x8x128xf32, #tpu.memory_space<hbm>>
    %dma_wait3A_326 = tpu.memref_squeeze %dma_wait3A_325 : memref<1x8x1x8x128xf32, #tpu.memory_space<hbm>> -> memref<8x8x128xf32, #tpu.memory_space<hbm>>
    %dma_wait3A_327 = arith.constant 0 : i32
    %dma_wait3A_328 = arith.constant 0 : i32
    %dma_wait3A_329 = arith.constant 0 : i32
    %dma_wait3A_330 = tpu.memref_slice %arg4[%dma_wait3A, %dma_wait3A_327, %add3A, %dma_wait3A_328, %dma_wait3A_329] : memref<200x8x32x8x128xf32, #tpu.memory_space<hbm>> -> memref<1x8x1x8x128xf32, #tpu.memory_space<hbm>>
    %dma_wait3A_331 = tpu.memref_squeeze %dma_wait3A_330 : memref<1x8x1x8x128xf32, #tpu.memory_space<hbm>> -> memref<8x8x128xf32, #tpu.memory_space<hbm>>
    %dma_wait3A_332 = arith.constant 0 : i32
    %dma_wait3A_333 = arith.constant 0 : i32
    %dma_wait3A_334 = arith.constant 0 : i32
    %dma_wait3A_335 = tpu.memref_slice %arg14[%dma_wait3A_332, %dma_wait3A_333, %dma_wait3A_334] : memref<8x8x129xf32, #tpu.memory_space<vmem>> -> memref<8x8x128xf32, #tpu.memory_space<vmem>>
    tpu.wait_dma2 semaphore(%arg22 : memref<!tpu.dma_semaphore, #tpu.memory_space<semaphore_mem>>) src(%dma_wait3A_335 : memref<8x8x128xf32, #tpu.memory_space<vmem>>) dst(%dma_wait3A_331 : memref<8x8x128xf32, #tpu.memory_space<hbm>>)
    %dma_wait3A_336 = arith.constant 0 : i32
    %dma_wait3A_337 = arith.constant 0 : i32
    %dma_wait3A_338 = arith.constant 0 : i32
    %dma_wait3A_339 = arith.constant 0 : i32
    %dma_wait3A_340 = tpu.memref_slice %arg15[%dma_wait3A_337, %dma_wait3A_338, %dma_wait3A_339] : memref<8x8x129xf32, #tpu.memory_space<vmem>> -> memref<8x8x128xf32, #tpu.memory_space<vmem>>
    %dma_wait3A_341 = arith.constant 0 : i32
    %dma_wait3A_342 = arith.constant 0 : i32
    %dma_wait3A_343 = arith.constant 0 : i32
    %dma_wait3A_344 = tpu.memref_slice %arg4[%dma_wait3A_336, %dma_wait3A_341, %add3A, %dma_wait3A_342, %dma_wait3A_343] : memref<200x8x32x8x128xf32, #tpu.memory_space<hbm>> -> memref<1x8x1x8x128xf32, #tpu.memory_space<hbm>>
    %dma_wait3A_345 = tpu.memref_squeeze %dma_wait3A_344 : memref<1x8x1x8x128xf32, #tpu.memory_space<hbm>> -> memref<8x8x128xf32, #tpu.memory_space<hbm>>
    %dma_wait3A_346 = arith.constant 0 : i32
    %dma_wait3A_347 = arith.constant 0 : i32
    %dma_wait3A_348 = arith.constant 0 : i32
    %dma_wait3A_349 = tpu.memref_slice %arg4[%dma_wait3A_336, %dma_wait3A_346, %add3A, %dma_wait3A_347, %dma_wait3A_348] : memref<200x8x32x8x128xf32, #tpu.memory_space<hbm>> -> memref<1x8x1x8x128xf32, #tpu.memory_space<hbm>>
    %dma_wait3A_350 = tpu.memref_squeeze %dma_wait3A_349 : memref<1x8x1x8x128xf32, #tpu.memory_space<hbm>> -> memref<8x8x128xf32, #tpu.memory_space<hbm>>
    %dma_wait3A_351 = arith.constant 0 : i32
    %dma_wait3A_352 = arith.constant 0 : i32
    %dma_wait3A_353 = arith.constant 0 : i32
    %dma_wait3A_354 = tpu.memref_slice %arg15[%dma_wait3A_351, %dma_wait3A_352, %dma_wait3A_353] : memref<8x8x129xf32, #tpu.memory_space<vmem>> -> memref<8x8x128xf32, #tpu.memory_space<vmem>>
    tpu.wait_dma2 semaphore(%arg23 : memref<!tpu.dma_semaphore, #tpu.memory_space<semaphore_mem>>) src(%dma_wait3A_354 : memref<8x8x128xf32, #tpu.memory_space<vmem>>) dst(%dma_wait3A_350 : memref<8x8x128xf32, #tpu.memory_space<hbm>>)
    %dma_wait3A_355 = arith.constant 0 : i32
    %dma_wait3A_356 = arith.constant 0 : i32
    %dma_wait3A_357 = arith.constant 0 : i32
    %dma_wait3A_358 = arith.constant 0 : i32
    %dma_wait3A_359 = tpu.memref_slice %arg16[%dma_wait3A_356, %dma_wait3A_357, %dma_wait3A_358] : memref<8x8x129xf32, #tpu.memory_space<vmem>> -> memref<8x8x128xf32, #tpu.memory_space<vmem>>
    %dma_wait3A_360 = arith.constant 0 : i32
    %dma_wait3A_361 = arith.constant 0 : i32
    %dma_wait3A_362 = arith.constant 0 : i32
    %dma_wait3A_363 = tpu.memref_slice %arg4[%dma_wait3A_355, %dma_wait3A_360, %add3A, %dma_wait3A_361, %dma_wait3A_362] : memref<200x8x32x8x128xf32, #tpu.memory_space<hbm>> -> memref<1x8x1x8x128xf32, #tpu.memory_space<hbm>>
    %dma_wait3A_364 = tpu.memref_squeeze %dma_wait3A_363 : memref<1x8x1x8x128xf32, #tpu.memory_space<hbm>> -> memref<8x8x128xf32, #tpu.memory_space<hbm>>
    %dma_wait3A_365 = arith.constant 0 : i32
    %dma_wait3A_366 = arith.constant 0 : i32
    %dma_wait3A_367 = arith.constant 0 : i32
    %dma_wait3A_368 = tpu.memref_slice %arg4[%dma_wait3A_355, %dma_wait3A_365, %add3A, %dma_wait3A_366, %dma_wait3A_367] : memref<200x8x32x8x128xf32, #tpu.memory_space<hbm>> -> memref<1x8x1x8x128xf32, #tpu.memory_space<hbm>>
    %dma_wait3A_369 = tpu.memref_squeeze %dma_wait3A_368 : memref<1x8x1x8x128xf32, #tpu.memory_space<hbm>> -> memref<8x8x128xf32, #tpu.memory_space<hbm>>
    %dma_wait3A_370 = arith.constant 0 : i32
    %dma_wait3A_371 = arith.constant 0 : i32
    %dma_wait3A_372 = arith.constant 0 : i32
    %dma_wait3A_373 = tpu.memref_slice %arg16[%dma_wait3A_370, %dma_wait3A_371, %dma_wait3A_372] : memref<8x8x129xf32, #tpu.memory_space<vmem>> -> memref<8x8x128xf32, #tpu.memory_space<vmem>>
    tpu.wait_dma2 semaphore(%arg24 : memref<!tpu.dma_semaphore, #tpu.memory_space<semaphore_mem>>) src(%dma_wait3A_373 : memref<8x8x128xf32, #tpu.memory_space<vmem>>) dst(%dma_wait3A_369 : memref<8x8x128xf32, #tpu.memory_space<hbm>>)
    %dma_wait3A_374 = arith.constant 0 : i32
    %dma_wait3A_375 = arith.constant 0 : i32
    %dma_wait3A_376 = arith.constant 0 : i32
    %dma_wait3A_377 = arith.constant 0 : i32
    %dma_wait3A_378 = tpu.memref_slice %arg17[%dma_wait3A_375, %dma_wait3A_376, %dma_wait3A_377] : memref<8x8x129xf32, #tpu.memory_space<vmem>> -> memref<8x8x128xf32, #tpu.memory_space<vmem>>
    %dma_wait3A_379 = arith.constant 0 : i32
    %dma_wait3A_380 = arith.constant 0 : i32
    %dma_wait3A_381 = arith.constant 0 : i32
    %dma_wait3A_382 = tpu.memref_slice %arg4[%dma_wait3A_374, %dma_wait3A_379, %add3A, %dma_wait3A_380, %dma_wait3A_381] : memref<200x8x32x8x128xf32, #tpu.memory_space<hbm>> -> memref<1x8x1x8x128xf32, #tpu.memory_space<hbm>>
    %dma_wait3A_383 = tpu.memref_squeeze %dma_wait3A_382 : memref<1x8x1x8x128xf32, #tpu.memory_space<hbm>> -> memref<8x8x128xf32, #tpu.memory_space<hbm>>
    %dma_wait3A_384 = arith.constant 0 : i32
    %dma_wait3A_385 = arith.constant 0 : i32
    %dma_wait3A_386 = arith.constant 0 : i32
    %dma_wait3A_387 = tpu.memref_slice %arg4[%dma_wait3A_374, %dma_wait3A_384, %add3A, %dma_wait3A_385, %dma_wait3A_386] : memref<200x8x32x8x128xf32, #tpu.memory_space<hbm>> -> memref<1x8x1x8x128xf32, #tpu.memory_space<hbm>>
    %dma_wait3A_388 = tpu.memref_squeeze %dma_wait3A_387 : memref<1x8x1x8x128xf32, #tpu.memory_space<hbm>> -> memref<8x8x128xf32, #tpu.memory_space<hbm>>
    %dma_wait3A_389 = arith.constant 0 : i32
    %dma_wait3A_390 = arith.constant 0 : i32
    %dma_wait3A_391 = arith.constant 0 : i32
    %dma_wait3A_392 = tpu.memref_slice %arg17[%dma_wait3A_389, %dma_wait3A_390, %dma_wait3A_391] : memref<8x8x129xf32, #tpu.memory_space<vmem>> -> memref<8x8x128xf32, #tpu.memory_space<vmem>>
    tpu.wait_dma2 semaphore(%arg25 : memref<!tpu.dma_semaphore, #tpu.memory_space<semaphore_mem>>) src(%dma_wait3A_392 : memref<8x8x128xf32, #tpu.memory_space<vmem>>) dst(%dma_wait3A_388 : memref<8x8x128xf32, #tpu.memory_space<hbm>>)
    return
  }
}

</mosaic_0001>

<sc_bundles>
// kernel: kernel.3.cloned.1.call-start
scs
__scs_entry_jumppad:
0x0: {  	(pc) =	sbr.rel $0x88, $3  }
0x1: {  	(tag) =	ssettag $0x0;
	lr =	simm.s32 $0x1  }
0x2: {  	[smem:$0x3F9F] =	sst lr;
	_ =	strace $0xD0000000  }
0x3: {  	_ = 	snop  }
0x4: {  	_ = 	snop  }
0x5: {  	_ = 	snop  }
0x6: {  	_ = 	snop  }
0x7: {  	_ = 	snop  }
__scs_overlays_trampoline_lowered:
0x8: {  	[smem:$0x3FAE] =	sst s0  }
0x9: {  	[smem:$0x3FAF] =	sst s1  }
0xa: {  	[smem:$0x3FB0] =	sst s2  }
0xb: {  	[smem:$0x3FB1] =	sst s3  }
0xc: {  	[smem:$0x3FB2] =	sst s4  }
0xd: {  	[smem:$0x3FB3] =	sst s5  }
0xe: {  	[smem:$0x3FB4] =	sst s6  }
0xf: {  	[smem:$0x3FB5] =	sst s7  }
0x10: {  	[smem:$0x3FB6] =	sst s8  }
0x11: {  	[smem:$0x3FB7] =	sst s9;
	s0 =	simm.s32 @!p0 $0x0  }
0x12: {  	s1 =	sld [smem:$0x3F9D];
	s0 =	simm.s32 @p0 $0x1  }
0x13: {  	[smem:$0x3FB8] =	sst s0;
	s0 =	simm.s32 @!p1 $0x0  }
0x14: {  	s2 =	sld [smem:$0x3F9C];
	s0 =	simm.s32 @p1 $0x1  }
0x15: {  	[smem:$0x3FB9] =	sst s0;
	s0 =	simm.s32 @!p2 $0x0  }
0x16: {  	s3 =	sld [smem:$0x3FDB];
	s0 =	simm.s32 @p2 $0x1  }
0x17: {  	s4 =	simm.s32 $0x1BF5;
	[smem:$0x3FBB] =	sst s0  }
0x18: {  	s0 =	sld [smem:$0x3F9E];
	_ =	swait.ge [sflag:s4], $0x0  }
0x19: {  	s7 =	sld [smem:$0x3F9F]  }
0x1a: {  	s8 =	sadd.s32 $0xFFFFE003, lr  }
0x1b: {  	s9 =	sadd.s32 $0xFFFFFEF7, lr;
	s5 =	simm.s32 $0xFFFFFFFF;
	p2 =	slt.u32 s8, $0xFFFFF086  }
0x1c: {  	p1 =	slt.u32 s9, $0xF7A;
	s5 =	simm.s32 @!p2 $0x0  }
0x1d: {  	s5 =	simm.s32 @p1 $0x1;
	p0 =	seq.s32 s7, s2  }
0x1e: {  	s7 =	smul.u32 @!p0 $0xF7A, s2;
	p2 =	seq.s32 @!p0 s5, $0x0  }
0x1f: {  	s9 =	smul.u32 $0xF7A, s1;
	s8 =	simm.s32 @!p0 $0x1BF5;
	p2 =	por !p2, p0  }
0x20: {  	[sflag:s8] =	ssyncset.s32 @!p0 $0xFFFFF086;
	s6 =	sadd.s32 @!p0 s3, s7;
	s7 =	simm.s32 @!p0 $0x108  }
0x21: {  	s3 =	sadd.s32 s3, s9;
	s6 =	sadd.s32 @!p0 $0x88, s6;
	s7 =	simm.s32 @p2 $0x1082  }
0x22: {  	[simem:s7], [sflag:s8] =	dma.local @!p0 [hbm:s6], $0xF7A  }
0x23: {  	s9 =	sor.u32 $0xD0000000, s2;
	s6 =	simm.s32 $0x108;
	_ =	swait.ge @!p0 [sflag:s8], $0x0  }
0x24: {  	s3 =	sadd.s32 $0x88, s3;
	s6 =	simm.s32 @!p1 $0x1082;
	[sflag:s4] =	ssyncset.s32 $0xFFFFF086  }
0x25: {  	[simem:s6], [sflag:s4] =	dma.local [hbm:s3], $0xF7A  }
0x26: {  	[smem:$0x3F9F] =	sst s1;
	(tag) =	ssettag s2;
	_ =	strace s9  }
0x27: {  	s1 =	sld [smem:$0x3FAF]  }
0x28: {  	s2 =	sld [smem:$0x3FB0]  }
0x29: {  	s4 =	sld [smem:$0x3FB2]  }
0x2a: {  	p0 =	seq.s32 s5, $0x0;
	s5 =	sld [smem:$0x3FB3]  }
0x2b: {  	s6 =	sld [smem:$0x3FB4]  }
0x2c: {  	s7 =	sld [smem:$0x3FB5]  }
0x2d: {  	s3 =	simm.s32 $0x108;
	s8 =	sld [smem:$0x3FB6]  }
0x2e: {  	s3 =	simm.s32 @!p0 $0x1082;
	s9 =	sld [smem:$0x3FB7]  }
0x2f: {  	lr =	sadd.s32 s0, s3;
	s0 =	sld [smem:$0x3FAE]  }
0x30: {  	s3 =	sld [smem:$0x3FB1]  }
0x31: {  	[smem:$0x3FBA] =	sst s10  }
0x32: {  	s10 =	sld [smem:$0x3FB8];
	_ =	sdelay $0x3  }
0x33: {  	p0 =	seq.s32 s10, $0x1;
	s10 =	sld [smem:$0x3FBA];
	_ =	sdelay $0x3  }
0x34: {  	[smem:$0x3FBA] =	sst s10  }
0x35: {  	s10 =	sld [smem:$0x3FB9];
	_ =	sdelay $0x3  }
0x36: {  	p1 =	seq.s32 s10, $0x1;
	s10 =	sld [smem:$0x3FBA];
	_ =	sdelay $0x3  }
0x37: {  	[smem:$0x3FBA] =	sst s10  }
0x38: {  	s10 =	sld [smem:$0x3FBB]  }
0x39: {  	_ = 	snop;
	(pc) =	sbr.ind lr, $3  }
0x3a: {  	_ = 	snop  }
0x3b: {  	_ = 	snop  }
0x3c: {  	p2 =	seq.s32 s10, $0x1;
	s10 =	sld [smem:$0x3FBA]  }
0x3d: {  	_ =	shalt  }
0x3e: {  	_ =	shalt  }
0x3f: {  	_ =	shalt  }
0x40: {  	_ =	shalt  }
0x41: {  	_ =	shalt  }
0x42: {  	_ =	shalt  }
0x43: {  	_ =	shalt  }
0x44: {  	_ =	shalt  }
0x45: {  	_ =	shalt  }
0x46: {  	_ =	shalt  }
0x47: {  	_ =	shalt  }
0x48: {  	_ =	shalt  }
0x49: {  	_ =	shalt  }
0x4a: {  	_ =	shalt  }
0x4b: {  	_ =	shalt  }
0x4c: {  	_ =	shalt  }
0x4d: {  	_ =	shalt  }
0x4e: {  	_ =	shalt  }
0x4f: {  	_ =	shalt  }
0x50: {  	_ =	shalt  }
0x51: {  	_ =	shalt  }
0x52: {  	_ =	shalt  }
0x53: {  	_ =	shalt  }
0x54: {  	_ =	shalt  }
0x55: {  	_ =	shalt  }
0x56: {  	_ =	shalt  }
0x57: {  	_ =	shalt  }
0x58: {  	_ =	shalt  }
0x59: {  	_ =	shalt  }
0x5a: {  	_ =	shalt  }
0x5b: {  	_ =	shalt  }
0x5c: {  	_ =	shalt  }
0x5d: {  	_ =	shalt  }
0x5e: {  	_ =	shalt  }
0x5f: {  	_ =	shalt  }
0x60: {  	_ =	shalt  }
0x61: {  	_ =	shalt  }
0x62: {  	_ =	shalt  }
0x63: {  	_ =	shalt  }
0x64: {  	_ =	shalt  }
0x65: {  	_ =	shalt  }
0x66: {  	_ =	shalt  }
0x67: {  	_ =	shalt  }
0x68: {  	_ =	shalt  }
0x69: {  	_ =	shalt  }
0x6a: {  	_ =	shalt  }
0x6b: {  	_ =	shalt  }
0x6c: {  	_ =	shalt  }
0x6d: {  	_ =	shalt  }
0x6e: {  	_ =	shalt  }
0x6f: {  	_ =	shalt  }
0x70: {  	_ =	shalt  }
0x71: {  	_ =	shalt  }
0x72: {  	_ =	shalt  }
0x73: {  	_ =	shalt  }
0x74: {  	_ =	shalt  }
0x75: {  	_ =	shalt  }
0x76: {  	_ =	shalt  }
0x77: {  	_ =	shalt  }
0x78: {  	_ =	shalt  }
0x79: {  	_ =	shalt  }
0x7a: {  	_ =	shalt  }
0x7b: {  	_ =	shalt  }
0x7c: {  	_ =	shalt  }
0x7d: {  	_ =	shalt  }
0x7e: {  	_ =	shalt  }
0x7f: {  	_ =	shalt  }
0x80: {  	_ =	shalt  }
0x81: {  	_ =	shalt  }
0x82: {  	_ =	shalt  }
0x83: {  	_ =	shalt  }
0x84: {  	_ =	shalt  }
0x85: {  	_ =	shalt  }
0x86: {  	_ =	shalt  }
0x87: {  	_ =	shalt  }
.Lfunc_end0:
.L_simem_size_0:
called_computation_lowered:
.L_overlay_start_0:
0x88: {  	s2 =	sld [smem:$0x3FD9]  }
0x89: {  	s3 =	sld [smem:$0x3FFE];
	_ =	sdelay $0x1  }
0x8a: {  	s1 =	srdreg.scid  }
0x8b: {  	s0 =	sand.u32 $0x1, s1  }
0x8c: {  	s17 =	sshll.u32 s0, $0xA;
	s2 =	sadd.s32 s3, s2  }
0x8d: {  	s2 =	sadd.s32 s2, s17  }
0x8e: {  	[smem:$0x3FC6] =	sst s2  }
0x8f: {  	_ = 	snop  }
0x90: {  	s2 =	sld [smem:$0x3FD0];
	(tm) =	ssettm $0x1  }
0x91: {  	s18 =	sld [smem:$0x3FFB];
	_ =	sdelay $0x3  }
0x92: {  	_ =	strace s18  }
0x93: {  	s3 =	sld [smem:$0x3FFC];
	_ =	sdelay $0x3  }
0x94: {  	_ =	strace s3  }
0x95: {  	s3 =	sld [smem:$0x3FFD];
	_ =	sdelay $0x3  }
0x96: {  	_ =	strace s3  }
0x97: {  	_ =	strace $0x8FFFFFFF  }
0x98: {  	s19 =	sld [smem:$0x3FDB];
	_ =	sdelay $0x1  }
0x99: {  	s4 =	simm.s32 $_scs_section_size  }
0x9a: {  	s5 =	simm.s32 $_size__tile_overlayer_lowered;
	s6 =	simm.s32 $_tile_overlayer_lowered  }
0x9b: {  	s22 =	simm.s32 $0x1BFF;
	s21 =	sshll.u32 s6, $0x1;
	s3 =	sadd.s32 s4, s19  }
0x9c: {  	s7 =	simm.s32 $0x0;
	s20 =	sshll.u32 s5, $0x1;
	s5 =	sadd.s32 s21, s3  }
0x9d: {  	[timem:s7], [sflag:s22] =	dma.local [hbm:s5], s20  }
0x9e: {  	_ =	swait.ge [sflag:s22], s20  }
0x9f: {  	s4 =	ssub.s32 $0x0, s20;
	[sflag:s22] =	ssyncset.done $0x0  }
0xa0: {  	[sflag:s22] =	ssyncadd.s32 s4;
	_ =	sdelay $0x1  }
0xa1: {  	s23 =	simm.s32 $0x1B8B  }
0xa2: {  	_ =	swait.ge [sflag:s23], $0x1  }
0xa3: {  	[sflag:s23] =	ssyncset.done $0x0  }
0xa4: {  	s25 =	simm.s32 $0x1B8E;
	s24 =	sld [smem:$0x3FFE];
	[sflag:s23] =	ssyncadd.s32 $0xFFFFFFFF  }
0xa5: {  	s26 =	simm.s32 $execute0_lowered;
	[smem:$0x3FD2] =	sst s25  }
0xa6: {  	s5 =	sshll.u32 s26, $0x1;
	_ =	strace $0x80000046;
	[dreg:$0x1] =	wrdreg $0xFFFFFFFF  }
0xa7: {  	s28 =	simm.s32 $_size_execute0_lowered;
	s3 =	sadd.s32 s3, s5;
	[dreg:$0x0] =	wrdreg $0x0  }
0xa8: {  	s5 =	sshll.u32 s28, $0x1;
	[dreg:$0x2] =	wrdreg s3  }
0xa9: {  	[dreg:$0x3] =	wrdreg s5  }
0xaa: {  	[dreg:$0x4] =	wrdreg $0xC0  }
0xab: {  	_ =	task [dreg:s7], $0x5FFFF  }
0xac: {  	[dreg:$0x1] =	wrdreg $0xFFFFFFFF  }
0xad: {  	[dreg:$0x0] =	wrdreg $0x60  }
0xae: {  	[dreg:$0x2] =	wrdreg s24  }
0xaf: {  	[dreg:$0x3] =	wrdreg s2  }
0xb0: {  	[dreg:$0x4] =	wrdreg $0x9  }
0xb1: {  	_ =	task.clear_ibuf [dreg:s7], $0x5FFFF;
	_ =	strace $0x90000046  }
0xb2: {  	s29 =	simm.s32 $0x9;
	_ =	strace $0x80000048  }
0xb3: {  	_ =	swait.ge [sflag:s29], $0x1  }
0xb4: {  	[sflag:s29] =	ssyncadd.s32 $0xFFFFFFFF  }
0xb5: {  	_ =	strace $0x90000048  }
0xb6: {  	_ =	sfence  }
0xb7: {  	s30 =	sld [smem:$0x0];
	_ =	sdelay $0x2  }
0xb8: {  	s31 =	sshll.u32 s1, $0xD;
	s1 =	sshrl.u32 s1, $0x2  }
0xb9: {  	s3 =	sand.u32 $0x4000, s31;
	s1 =	sadd.s32 s1, s30  }
0xba: {  	s0 =	sor.u32 s3, s0;
	s1 =	sshll.u32 s1, $0x11  }
0xbb: {  	s0 =	sor.u32 s1, s0  }
0xbc: {  	s0 =	sadd.s32 $0x8F2B, s0  }
0xbd: {  	[sflag:s0] =	ssyncadd.remote.s32 $0x1  }
0xbe: {  	_ =	sfence.sel $0xFFFF  }
0xbf: {  	[dreg:$0x0] =	wrdreg $0xFFFFFFFF;
	(pc) =	sbr.abs _section_cstart, $3  }
0xc0: {  	[dreg:$0x1] =	wrdreg $0xFFFFFFFF  }
0xc1: {  	_ =	task.clear_ibuf [dreg:s7], $0x2FFFF;
	_ =	strace $0x9FFFFFFF  }
0xc2: {  	(tm) =	ssettm $0x7FFFFFFF  }
0xc3: {  	_ =	shalt  }
tec
execute0_lowered:
.L_overlay_start_1:
0x0: {  	(tag) =	ssettag $0x1  }
0x1: {  	s0 =	rddreg [dreg:$0x0]  }
0x2: {  	s2 =	rddreg [dreg:$0x1];
	s1 =	srdreg.scid  }
0x3: {  	s4 =	stileid.u32;
	s3 =	simm.s32 $0x0;
	s11 =	simm.s32 $0x80  }
0x4: {  	s18 =	simm.s32 $0x6500;
	s19 =	simm.s32 $0xA600;
	s22 =	simm.s32 $0x1  }
0x5: {  	s23 =	simm.s32 $0xE600;
	s24 =	simm.s32 $0x2;
	s28 =	simm.s32 $0x3  }
0x6: {  	s29 =	simm.s32 $0x7;
	s30 =	simm.s32 $0x12A00;
	s31 =	simm.s32 $0x4  }
0x7: {  	s10 =	simm.s32 $0x0;
	s1 =	sand.u32 $0x1, s1;
	s4 =	sshll.u32 s4, $0x1  }
0x8: {  	[smem:$0x7FF] =	sst s3;
	s8 =	sadd.s32 $0x10000, s2;
	s5 =	sor.u32 s1, s4  }
0x9: {  	s9 =	sadd.s32 $0x18000, s2;
	s1 =	ssub.s32 $0x2, s1;
	s4 =	sshll.u32 s5, $0x4  }
0xa: {  	_ =	strace $0x80000047;
	s6 =	sshrl.u32 s1, $0x1;
	s7 =	sadd.s32 s4, s0  }
0xb: {  	v0 =	vlaneseq.u32;
	s4 =	sadd.s32 $0x19400, s0;
	s25 =	ssub.s32 s1, s6;
	s6 =	sshll.u32 s5, $0x7  }
0xc: {  	v0 =	vmul.u32 $0x88, v0;
	s1 =	simm.s32 $0x14C00;
	s26 =	sadd.s32 $0x400, s7;
	s7 =	sadd.s32 $0x8000, s2  }
0xd: {  	s0 =	smax.u32 s25, $0x1;
	s25 =	simm.s32 $0x6;
	[dreg:$0x3] =	wrdreg s26  }
0xe: {  	v1 =	vadd.s32 $0x880, v0;
	v2 =	vadd.s32 $0x1100, v0;
	v3 =	vadd.s32 $0x1980, v0;
	[dreg:$0x4] =	wrdreg s0;
	s26 =	simm.s32 $0x10800;
	s0 =	simm.s32 $0x8  }
.LBB2_1:
0xf: {  	[dreg:$0x5] =	wrdreg s10  }
0x10: {  	s5 =	rddreg [dreg:$0x3];
	s12 =	simm.s32 $0x1000;
	s13 =	simm.s32 $0x9  }
0x11: {  	[tilespmem:s3], [sflag:$0x9] =	stream.strided.gather [hbm4b:s5+s11], $0x6400, s12, s11, $0x38;
	[tilespmem:$0x16E00] =	vst v63  }
0x12: {  	_ =	swait.ge [sflag:s13], $0x6400  }
0x13: {  	[sflag:s13] =	ssyncset.done $0x0  }
0x14: {  	[sflag:s13] =	ssyncadd.s32 $0xFFFF9C00  }
0x15: {  	v4 =	vld [tilespmem:$0x0]  }
0x16: {  	v5 =	vld [tilespmem:$0x10]  }
0x17: {  	v6 =	vld [tilespmem:$0x20]  }
0x18: {  	v7 =	vld [tilespmem:$0x30]  }
0x19: {  	v8 =	vld [tilespmem:$0x40]  }
0x1a: {  	v9 =	vld [tilespmem:$0x50];
	v4 =	vxor.u32 $0xFFFFFFFF, v4  }
0x1b: {  	[tilespmem:$0x6400] =	vst v4;
	v4 =	vxor.u32 $0xFFFFFFFF, v5;
	v5 =	vld [tilespmem:$0x60]  }
0x1c: {  	v48 =	vld [tilespmem:$0x70];
	[tilespmem:$0x6410] =	vst v4;
	v4 =	vxor.u32 $0xFFFFFFFF, v6  }
0x1d: {  	[tilespmem:$0x6420] =	vst v4;
	v4 =	vxor.u32 $0xFFFFFFFF, v7  }
0x1e: {  	[tilespmem:$0x6430] =	vst v4;
	v4 =	vxor.u32 $0xFFFFFFFF, v8  }
0x1f: {  	[tilespmem:$0x6440] =	vst v4;
	v4 =	vxor.u32 $0xFFFFFFFF, v9  }
0x20: {  	[tilespmem:$0x6450] =	vst v4;
	v4 =	vxor.u32 $0xFFFFFFFF, v5  }
0x21: {  	[tilespmem:$0x6460] =	vst v4;
	v4 =	vxor.u32 $0xFFFFFFFF, v48  }
0x22: {  	s14 =	simm.s32 $0x6400;
	s15 =	simm.s32 $0x6600;
	[tilespmem:$0x6470] =	vst v4  }
0x23: {  	[tilespmem:s15], [sflag:$0x1] =	stream.indirect.gather [hbm4b:s4+s11], $0x40, s14, s11, $0xb8;
	[tilespmem:$0x16E00] =	vst v63  }
0x24: {  	v4 =	vld [tilespmem:$0x80]  }
0x25: {  	v5 =	vld [tilespmem:$0x90]  }
0x26: {  	v49 =	vld [tilespmem:$0xA0]  }
0x27: {  	v50 =	vld [tilespmem:$0xB0]  }
0x28: {  	v51 =	vld [tilespmem:$0xC0]  }
0x29: {  	v52 =	vld [tilespmem:$0xD0];
	v4 =	vxor.u32 $0xFFFFFFFF, v4  }
0x2a: {  	[tilespmem:$0x6480] =	vst v4;
	v4 =	vxor.u32 $0xFFFFFFFF, v5;
	v5 =	vld [tilespmem:$0xE0]  }
0x2b: {  	v53 =	vld [tilespmem:$0xF0];
	[tilespmem:$0x6490] =	vst v4;
	v4 =	vxor.u32 $0xFFFFFFFF, v49  }
0x2c: {  	[tilespmem:$0x64A0] =	vst v4;
	v4 =	vxor.u32 $0xFFFFFFFF, v50  }
0x2d: {  	[tilespmem:$0x64B0] =	vst v4;
	v4 =	vxor.u32 $0xFFFFFFFF, v51  }
0x2e: {  	[tilespmem:$0x64C0] =	vst v4;
	v4 =	vxor.u32 $0xFFFFFFFF, v52  }
0x2f: {  	[tilespmem:$0x64D0] =	vst v4;
	v4 =	vxor.u32 $0xFFFFFFFF, v5  }
0x30: {  	[tilespmem:$0x64E0] =	vst v4;
	v4 =	vxor.u32 $0xFFFFFFFF, v53  }
0x31: {  	s16 =	simm.s32 $0x6480;
	s17 =	simm.s32 $0x8600;
	[tilespmem:$0x64F0] =	vst v4  }
0x32: {  	[tilespmem:s17], [sflag:$0x2] =	stream.indirect.gather [hbm4b:s4+s11], $0x40, s16, s11, $0xb8;
	[tilespmem:$0x16E00] =	vst v63  }
0x33: {  	v4 =	vld [tilespmem:$0x100]  }
0x34: {  	v5 =	vld [tilespmem:$0x110]  }
0x35: {  	v54 =	vld [tilespmem:$0x120]  }
0x36: {  	v55 =	vld [tilespmem:$0x130]  }
0x37: {  	v56 =	vld [tilespmem:$0x140]  }
0x38: {  	v57 =	vld [tilespmem:$0x150];
	v4 =	vxor.u32 $0xFFFFFFFF, v4  }
0x39: {  	[tilespmem:$0x6500] =	vst v4;
	v4 =	vxor.u32 $0xFFFFFFFF, v5;
	v5 =	vld [tilespmem:$0x160]  }
0x3a: {  	v58 =	vld [tilespmem:$0x170];
	[tilespmem:$0x6510] =	vst v4;
	v4 =	vxor.u32 $0xFFFFFFFF, v54  }
0x3b: {  	[tilespmem:$0x6520] =	vst v4;
	v4 =	vxor.u32 $0xFFFFFFFF, v55  }
0x3c: {  	[tilespmem:$0x6530] =	vst v4;
	v4 =	vxor.u32 $0xFFFFFFFF, v56  }
0x3d: {  	[tilespmem:$0x6540] =	vst v4;
	v4 =	vxor.u32 $0xFFFFFFFF, v57  }
0x3e: {  	[tilespmem:$0x6550] =	vst v4;
	v4 =	vxor.u32 $0xFFFFFFFF, v5  }
0x3f: {  	[tilespmem:$0x6560] =	vst v4;
	v4 =	vxor.u32 $0xFFFFFFFF, v58  }
0x40: {  	[tilespmem:$0x6570] =	vst v4  }
0x41: {  	[tilespmem:s19], [sflag:$0x3] =	stream.indirect.gather [hbm4b:s4+s11], $0x40, s18, s11, $0xb8;
	[tilespmem:$0x16E00] =	vst v63  }
0x42: {  	v4 =	vld [tilespmem:$0x180]  }
0x43: {  	v5 =	vld [tilespmem:$0x190]  }
0x44: {  	v59 =	vld [tilespmem:$0x1A0]  }
0x45: {  	v60 =	vld [tilespmem:$0x1B0]  }
0x46: {  	v61 =	vld [tilespmem:$0x1C0]  }
0x47: {  	v62 =	vld [tilespmem:$0x1D0];
	v4 =	vxor.u32 $0xFFFFFFFF, v4  }
0x48: {  	[tilespmem:$0x6580] =	vst v4;
	v4 =	vxor.u32 $0xFFFFFFFF, v5;
	v5 =	vld [tilespmem:$0x1E0]  }
0x49: {  	v63 =	vld [tilespmem:$0x1F0];
	[tilespmem:$0x6590] =	vst v4;
	v4 =	vxor.u32 $0xFFFFFFFF, v59  }
0x4a: {  	[tilespmem:$0x65A0] =	vst v4;
	v4 =	vxor.u32 $0xFFFFFFFF, v60  }
0x4b: {  	[tilespmem:$0x65B0] =	vst v4;
	v4 =	vxor.u32 $0xFFFFFFFF, v61  }
0x4c: {  	[tilespmem:$0x65C0] =	vst v4;
	v4 =	vxor.u32 $0xFFFFFFFF, v62  }
0x4d: {  	[tilespmem:$0x65D0] =	vst v4;
	v4 =	vxor.u32 $0xFFFFFFFF, v5  }
0x4e: {  	[tilespmem:$0x65E0] =	vst v4;
	v4 =	vxor.u32 $0xFFFFFFFF, v63  }
0x4f: {  	s20 =	simm.s32 $0x6580;
	s21 =	simm.s32 $0xC600;
	[tilespmem:$0x65F0] =	vst v4  }
0x50: {  	[tilespmem:s21], [sflag:$0x4] =	stream.indirect.gather [hbm4b:s4+s11], $0x40, s20, s11, $0xb8;
	[tilespmem:$0x16E00] =	vst v63  }
0x51: {  	s21 =	simm.s32 $0x0  }
.LBB2_2:
0x52: {  	_ =	swait.ge [sflag:s22], $0x2000  }
0x53: {  	p0 =	seq.s32 s21, $0x0;
	[sflag:s22] =	ssyncset.done $0x0  }
0x54: {  	s5 =	simm.s32 @!p0 $0x5;
	[sflag:s22] =	ssyncadd.s32 $0xFFFFE000  }
0x55: {  	s10 =	simm.s32 $0x3;
	_ =	swait.ge @!p0 [sflag:s5], $0x2000  }
0x56: {  	v4 =	vmov s10;
	[sflag:s5] =	ssyncset.done @!p0 $0x0  }
0x57: {  	s14 =	simm.s32 $0x6680;
	s15 =	simm.s32 $0x0;
	v4 =	vand.u32 $0x7F, v4;
	[sflag:s5] =	ssyncadd.s32 @!p0 $0xFFFFE000  }
0x58: {  	v9 =	vmov s15;
	v6 =	vadd.s32 v0, v4;
	v5 =	vld [tilespmem:s14+$0x40]  }
0x59: {  	v9 =	vand.u32 $0x7C, v9;
	v8 =	vadd.s32 v1, v4;
	v7 =	vld [tilespmem:s14+$0x50]  }
0x5a: {  	v14 =	vadd.s32 v0, v9;
	v13 =	vld [tilespmem:s14+$0xFFFFFF80]  }
0x5b: {  	v11 =	vadd.s32 v2, v4;
	v10 =	vld [tilespmem:s14+$0x60]  }
0x5c: {  	v4 =	vadd.s32 v3, v4;
	v12 =	vld [tilespmem:s14+$0x70]  }
0x5d: {  	s16 =	simm.s32 $0x1;
	v16 =	vadd.s32 v1, v9;
	v15 =	vld [tilespmem:s14+$0xFFFFFF90];
	[tilespmem:v6+s23+$0x0] =	vst.idx.msk $0xffff, v5  }
0x5e: {  	v17 =	vmov s16;
	v5 =	vld [tilespmem:s14+$0xFFFFFFA0];
	v6 =	vadd.s32 v2, v9;
	[tilespmem:v8+s23+$0x0] =	vst.idx.msk $0xffff, v7  }
0x5f: {  	v7 =	vld [tilespmem:s14+$0xFFFFFFB0];
	v8 =	vadd.s32 v3, v9;
	v9 =	vand.u32 $0x7D, v17;
	[tilespmem:v14+s23+$0x0] =	vst.idx.msk $0xffff, v13  }
0x60: {  	[tilespmem:v11+s23+$0x0] =	vst.idx.msk $0xffff, v10;
	v10 =	vld [tilespmem:s14+$0xFFFFFFC0];
	v11 =	vadd.s32 v0, v9  }
0x61: {  	v13 =	vadd.s32 v1, v9;
	[tilespmem:v4+s23+$0x0] =	vst.idx.msk $0xffff, v12;
	v12 =	vld [tilespmem:s14+$0xFFFFFFD0]  }
0x62: {  	s17 =	simm.s32 $0x2;
	[tilespmem:v16+s23+$0x0] =	vst.idx.msk $0xffff, v15  }
0x63: {  	v14 =	vld [tilespmem:s14+$0xFFFFFFE0];
	v15 =	vadd.s32 v2, v9;
	[tilespmem:v6+s23+$0x0] =	vst.idx.msk $0xffff, v5;
	v5 =	vmov s17  }
0x64: {  	v63 =	vld [tilespmem:s14+$0xFFFFFFF0];
	v17 =	vadd.s32 v3, v9;
	v9 =	vand.u32 $0x7E, v5  }
0x65: {  	v4 =	vld [tilespmem:s14+$0x0];
	[tilespmem:v11+s23+$0x0] =	vst.idx.msk $0xffff, v10;
	v11 =	vadd.s32 v0, v9  }
0x66: {  	s20 =	simm.s32 $0x7;
	v5 =	vld [tilespmem:s14+$0x10];
	[tilespmem:v13+s23+$0x0] =	vst.idx.msk $0xffff, v12;
	v12 =	vadd.s32 v1, v9  }
0x67: {  	v6 =	vld [tilespmem:s14+$0x20];
	[tilespmem:v8+s23+$0x0] =	vst.idx.msk $0xffff, v7;
	v8 =	vmov s20;
	v7 =	vadd.s32 v2, v9  }
0x68: {  	s10 =	simm.s32 $0x6780;
	v13 =	vand.u32 $0x7F, v8;
	v8 =	vld [tilespmem:s14+$0x30];
	[tilespmem:v15+s23+$0x0] =	vst.idx.msk $0xffff, v14;
	v14 =	vadd.s32 v3, v9  }
0x69: {  	s12 =	simm.s32 $0x4;
	s13 =	simm.s32 $0x8;
	s5 =	sshll.u32 s21, $0x9;
	v9 =	vld [tilespmem:s10+$0x40];
	v10 =	vadd.s32 v0, v13;
	[tilespmem:v17+s23+$0x0] =	vst.idx.msk $0xffff, v63  }
.LBB2_3:
0x6a: {  	p1 =	slt.u32 s13, $0x7C;
	v15 =	vld [tilespmem:s10+$0x50];
	v16 =	vadd.s32 v1, v13;
	[tilespmem:v11+s23+$0x0] =	vst.idx.msk $0xffff, v4  }
0x6b: {  	v4 =	vmov s12;
	v17 =	vadd.s32 v2, v13;
	v11 =	vld [tilespmem:s10+$0x60];
	[tilespmem:v12+s23+$0x0] =	vst.idx.msk $0xffff, v5  }
0x6c: {  	v4 =	vand.u32 $0x7C, v4;
	v12 =	vadd.s32 v3, v13;
	v5 =	vld [tilespmem:s10+$0x70];
	[tilespmem:v7+s23+$0x0] =	vst.idx.msk $0xffff, v6  }
0x6d: {  	v7 =	vadd.s32 v0, v4;
	v6 =	vld [tilespmem:s10+$0xFFFFFF80];
	[tilespmem:v14+s23+$0x0] =	vst.idx.msk $0xffff, v8  }
0x6e: {  	s14 =	sadd.s32 $0x1, s12;
	v13 =	vadd.s32 v1, v4;
	v8 =	vld [tilespmem:s10+$0xFFFFFF90];
	[tilespmem:v10+s23+$0x0] =	vst.idx.msk $0xffff, v9  }
0x6f: {  	v14 =	vmov s14;
	v10 =	vadd.s32 v2, v4;
	v9 =	vld [tilespmem:s10+$0xFFFFFFA0];
	[tilespmem:v16+s23+$0x0] =	vst.idx.msk $0xffff, v15  }
0x70: {  	v4 =	vadd.s32 v3, v4;
	v14 =	vand.u32 $0x7D, v14;
	v15 =	vld [tilespmem:s10+$0xFFFFFFB0];
	[tilespmem:v17+s23+$0x0] =	vst.idx.msk $0xffff, v11  }
0x71: {  	v17 =	vadd.s32 v0, v14;
	v16 =	vld [tilespmem:s10+$0xFFFFFFC0];
	[tilespmem:v12+s23+$0x0] =	vst.idx.msk $0xffff, v5  }
0x72: {  	s14 =	sadd.s32 $0x2, s12;
	s12 =	smov.u32 s13;
	[tilespmem:v7+s23+$0x0] =	vst.idx.msk $0xffff, v6;
	v6 =	vld [tilespmem:s10+$0xFFFFFFD0];
	v7 =	vadd.s32 v1, v14  }
0x73: {  	v18 =	vadd.s32 v2, v14;
	v5 =	vmov s14;
	[tilespmem:v13+s23+$0x0] =	vst.idx.msk $0xffff, v8;
	v8 =	vld [tilespmem:s10+$0xFFFFFFE0]  }
0x74: {  	v20 =	vadd.s32 v3, v14;
	[tilespmem:v10+s23+$0x0] =	vst.idx.msk $0xffff, v9;
	v19 =	vld [tilespmem:s10+$0xFFFFFFF0];
	v9 =	vand.u32 $0x7E, v5  }
.Ltmp0:
0x75: {  	[tilespmem:v4+s23+$0x0] =	vst.idx.msk $0xffff, v15;
	v4 =	vld [tilespmem:s10+$0x0];
	v11 =	vadd.s32 v0, v9;
	(pc) =	sbr.rel @p1 .LBB2_3-.Ltmp0, $4  }
0x76: {  	s14 =	sadd.s32 $0x3, s13;
	v12 =	vadd.s32 v1, v9;
	[tilespmem:v17+s23+$0x0] =	vst.idx.msk $0xffff, v16;
	v5 =	vld [tilespmem:s10+$0x10]  }
0x77: {  	v10 =	vmov s14;
	[tilespmem:v7+s23+$0x0] =	vst.idx.msk $0xffff, v6;
	v6 =	vld [tilespmem:s10+$0x20];
	v7 =	vadd.s32 v2, v9  }
0x78: {  	v13 =	vand.u32 $0x7F, v10;
	v14 =	vadd.s32 v3, v9;
	[tilespmem:v18+s23+$0x0] =	vst.idx.msk $0xffff, v8;
	v8 =	vld [tilespmem:s10+$0x30];
	s10 =	sadd.s32 $0x100, s10  }
0x79: {  	s13 =	sadd.s32 $0x4, s13;
	v10 =	vadd.s32 v0, v13;
	v9 =	vld [tilespmem:s10+$0x40];
	[tilespmem:v20+s23+$0x0] =	vst.idx.msk $0xffff, v19  }
0x7a: {  	_ =	sdelay $0x3  }
0x7b: {  	v15 =	vld [tilespmem:s10+$0x50];
	v16 =	vadd.s32 v1, v13;
	[tilespmem:v11+s23+$0x0] =	vst.idx.msk $0xffff, v4  }
0x7c: {  	v4 =	vmov s12;
	v40 =	vld [tilespmem:s10+$0x60];
	v17 =	vadd.s32 v2, v13;
	[tilespmem:v12+s23+$0x0] =	vst.idx.msk $0xffff, v5  }
0x7d: {  	v41 =	vadd.s32 v3, v13;
	v4 =	vand.u32 $0x7C, v4;
	v5 =	vld [tilespmem:s10+$0x70];
	[tilespmem:v7+s23+$0x0] =	vst.idx.msk $0xffff, v6  }
0x7e: {  	v42 =	vld [tilespmem:s10+$0xFFFFFF80];
	v43 =	vadd.s32 v0, v4;
	[tilespmem:v14+s23+$0x0] =	vst.idx.msk $0xffff, v8  }
0x7f: {  	v44 =	vld [tilespmem:s10+$0xFFFFFF90];
	s13 =	sadd.s32 $0x1, s12;
	v45 =	vadd.s32 v1, v4;
	[tilespmem:v10+s23+$0x0] =	vst.idx.msk $0xffff, v9  }
0x80: {  	v46 =	vld [tilespmem:s10+$0xFFFFFFA0];
	v48 =	vmov s13;
	v47 =	vadd.s32 v2, v4;
	[tilespmem:v16+s23+$0x0] =	vst.idx.msk $0xffff, v15  }
0x81: {  	v49 =	vld [tilespmem:s10+$0xFFFFFFB0];
	v4 =	vadd.s32 v3, v4;
	v14 =	vand.u32 $0x7D, v48;
	[tilespmem:v17+s23+$0x0] =	vst.idx.msk $0xffff, v40  }
0x82: {  	v50 =	vld [tilespmem:s10+$0xFFFFFFC0];
	v51 =	vadd.s32 v0, v14;
	[tilespmem:v41+s23+$0x0] =	vst.idx.msk $0xffff, v5  }
0x83: {  	s13 =	sadd.s32 $0x2, s12;
	v52 =	vadd.s32 v1, v14;
	[tilespmem:v43+s23+$0x0] =	vst.idx.msk $0xffff, v42;
	v5 =	vld [tilespmem:s10+$0xFFFFFFD0]  }
0x84: {  	v53 =	vld [tilespmem:s10+$0xFFFFFFE0];
	v55 =	vmov s13;
	v54 =	vadd.s32 v2, v14;
	[tilespmem:v45+s23+$0x0] =	vst.idx.msk $0xffff, v44  }
0x85: {  	v56 =	vld [tilespmem:s10+$0xFFFFFFF0];
	v12 =	vand.u32 $0x7E, v55;
	v57 =	vadd.s32 v3, v14;
	[tilespmem:v47+s23+$0x0] =	vst.idx.msk $0xffff, v46  }
0x86: {  	v58 =	vadd.s32 v0, v12;
	[tilespmem:v4+s23+$0x0] =	vst.idx.msk $0xffff, v49;
	v4 =	vld [tilespmem:s10+$0x0]  }
0x87: {  	v59 =	vld [tilespmem:s10+$0x10];
	v60 =	vadd.s32 v1, v12;
	[tilespmem:v51+s23+$0x0] =	vst.idx.msk $0xffff, v50  }
0x88: {  	v61 =	vadd.s32 v2, v12;
	[tilespmem:v52+s23+$0x0] =	vst.idx.msk $0xffff, v5;
	v5 =	vld [tilespmem:s10+$0x20]  }
0x89: {  	v62 =	vld [tilespmem:s10+$0x30];
	v63 =	vadd.s32 v3, v12;
	[tilespmem:v54+s23+$0x0] =	vst.idx.msk $0xffff, v53  }
0x8a: {  	[tilespmem:v57+s23+$0x0] =	vst.idx.msk $0xffff, v56  }
0x8b: {  	[tilespmem:v58+s23+$0x0] =	vst.idx.msk $0xffff, v4  }
0x8c: {  	s14 =	sshll.u32 s21, $0x11;
	[tilespmem:v60+s23+$0x0] =	vst.idx.msk $0xffff, v59  }
0x8d: {  	s10 =	sor.u32 s6, s14;
	[tilespmem:v61+s23+$0x0] =	vst.idx.msk $0xffff, v5  }
0x8e: {  	s15 =	simm.s32 $0xE600;
	s13 =	sadd.s32 s2, s10;
	[tilespmem:v63+s23+$0x0] =	vst.idx.msk $0xffff, v62  }
0x8f: {  	[hbm4b:s13+s3] =	stream.linear.scatter [tilespmem:s15], [sflag:$0x5], $0x80, $0x38;
	[tilespmem:$0x16E00] =	vst v63  }
0x90: {  	s16 =	simm.s32 $0xE688;
	s14 =	sadd.s32 $0x10, s13  }
0x91: {  	[hbm4b:s14+s3] =	stream.linear.scatter [tilespmem:s16], [sflag:$0x5], $0x80, $0x38;
	[tilespmem:$0x16E00] =	vst v63  }
0x92: {  	s17 =	simm.s32 $0xE710;
	s20 =	sadd.s32 $0x20, s13  }
0x93: {  	[hbm4b:s20+s3] =	stream.linear.scatter [tilespmem:s17], [sflag:$0x5], $0x80, $0x38;
	[tilespmem:$0x16E00] =	vst v63  }
0x94: {  	s15 =	simm.s32 $0xE798;
	s16 =	sadd.s32 $0x30, s13  }
0x95: {  	[hbm4b:s16+s3] =	stream.linear.scatter [tilespmem:s15], [sflag:$0x5], $0x80, $0x38;
	[tilespmem:$0x16E00] =	vst v63  }
0x96: {  	s17 =	simm.s32 $0xE820;
	s20 =	sadd.s32 $0x40, s13  }
0x97: {  	[hbm4b:s20+s3] =	stream.linear.scatter [tilespmem:s17], [sflag:$0x5], $0x80, $0x38;
	[tilespmem:$0x16E00] =	vst v63  }
0x98: {  	s12 =	simm.s32 $0x440;
	s15 =	simm.s32 $0xE8A8;
	s16 =	sadd.s32 $0x50, s13  }
0x99: {  	[hbm4b:s16+s3] =	stream.linear.scatter [tilespmem:s15], [sflag:$0x5], $0x80, $0x38;
	[tilespmem:$0x16E00] =	vst v63  }
0x9a: {  	s14 =	simm.s32 $0x2200;
	s17 =	simm.s32 $0xE930;
	s20 =	sadd.s32 $0x60, s13  }
0x9b: {  	[hbm4b:s20+s3] =	stream.linear.scatter [tilespmem:s17], [sflag:$0x5], $0x80, $0x38;
	[tilespmem:$0x16E00] =	vst v63  }
0x9c: {  	s15 =	sadd.s32 $0x70, s13;
	s13 =	sadd.s32 $0x1000, s13;
	s20 =	simm.s32 $0xE9B8  }
.LBB2_5:
0x9d: {  	[hbm4b:s15+s3] =	stream.linear.scatter [tilespmem:s20], [sflag:$0x5], $0x80, $0x38;
	[tilespmem:$0x16E00] =	vst v63  }
0x9e: {  	s15 =	smov.u32 s12;
	s12 =	smov.u32 s14  }
0x9f: {  	s16 =	sadd.s32 $0x1100, s14;
	s12 =	sshra.s32 s12, $0x2;
	s20 =	sadd.s32 $0xE600, s15  }
0xa0: {  	[hbm4b:s13+s3] =	stream.linear.scatter [tilespmem:s20], [sflag:$0x5], $0x80, $0x38;
	[tilespmem:$0x16E00] =	vst v63  }
0xa1: {  	p1 =	sne.s32 s14, $0x7700;
	s14 =	sadd.s32 $0xE688, s15;
	s20 =	sadd.s32 $0x10, s13  }
0xa2: {  	[hbm4b:s20+s3] =	stream.linear.scatter [tilespmem:s14], [sflag:$0x5], $0x80, $0x38;
	[tilespmem:$0x16E00] =	vst v63  }
0xa3: {  	s14 =	sadd.s32 $0xE710, s15;
	s20 =	sadd.s32 $0x20, s13  }
0xa4: {  	[hbm4b:s20+s3] =	stream.linear.scatter [tilespmem:s14], [sflag:$0x5], $0x80, $0x38;
	[tilespmem:$0x16E00] =	vst v63  }
0xa5: {  	s14 =	sadd.s32 $0xE798, s15;
	s20 =	sadd.s32 $0x30, s13  }
0xa6: {  	[hbm4b:s20+s3] =	stream.linear.scatter [tilespmem:s14], [sflag:$0x5], $0x80, $0x38;
	[tilespmem:$0x16E00] =	vst v63  }
0xa7: {  	s14 =	sadd.s32 $0xE820, s15;
	s20 =	sadd.s32 $0x40, s13  }
0xa8: {  	[hbm4b:s20+s3] =	stream.linear.scatter [tilespmem:s14], [sflag:$0x5], $0x80, $0x38;
	[tilespmem:$0x16E00] =	vst v63  }
0xa9: {  	s14 =	sadd.s32 $0xE8A8, s15;
	s20 =	sadd.s32 $0x50, s13  }
0xaa: {  	[hbm4b:s20+s3] =	stream.linear.scatter [tilespmem:s14], [sflag:$0x5], $0x80, $0x38;
	[tilespmem:$0x16E00] =	vst v63  }
.Ltmp1:
0xab: {  	_ = 	snop;
	(pc) =	sbr.rel @p1 .LBB2_5-.Ltmp1, $4  }
0xac: {  	s14 =	sadd.s32 $0xE930, s15;
	s20 =	sadd.s32 $0x60, s13  }
0xad: {  	[hbm4b:s20+s3] =	stream.linear.scatter [tilespmem:s14], [sflag:$0x5], $0x80, $0x38;
	[tilespmem:$0x16E00] =	vst v63  }
0xae: {  	s20 =	sadd.s32 $0xE9B8, s15  }
0xaf: {  	s15 =	sadd.s32 $0x70, s13;
	s13 =	sadd.s32 $0x1000, s13;
	s14 =	smov.u32 s16  }
0xb0: {  	[hbm4b:s15+s3] =	stream.linear.scatter [tilespmem:s20], [sflag:$0x5], $0x80, $0x38;
	[tilespmem:$0x16E00] =	vst v63  }
0xb1: {  	s14 =	sadd.s32 $0xE600, s12  }
0xb2: {  	[hbm4b:s13+s3] =	stream.linear.scatter [tilespmem:s14], [sflag:$0x5], $0x80, $0x38;
	[tilespmem:$0x16E00] =	vst v63  }
0xb3: {  	s17 =	sadd.s32 $0xE688, s12;
	s20 =	sadd.s32 $0x10, s13  }
0xb4: {  	[hbm4b:s20+s3] =	stream.linear.scatter [tilespmem:s17], [sflag:$0x5], $0x80, $0x38;
	[tilespmem:$0x16E00] =	vst v63  }
0xb5: {  	s15 =	sadd.s32 $0xE710, s12;
	s16 =	sadd.s32 $0x20, s13  }
0xb6: {  	[hbm4b:s16+s3] =	stream.linear.scatter [tilespmem:s15], [sflag:$0x5], $0x80, $0x38;
	[tilespmem:$0x16E00] =	vst v63  }
0xb7: {  	s17 =	sadd.s32 $0xE798, s12;
	s20 =	sadd.s32 $0x30, s13  }
0xb8: {  	[hbm4b:s20+s3] =	stream.linear.scatter [tilespmem:s17], [sflag:$0x5], $0x80, $0x38;
	[tilespmem:$0x16E00] =	vst v63  }
0xb9: {  	s15 =	sadd.s32 $0xE820, s12;
	s16 =	sadd.s32 $0x40, s13  }
0xba: {  	[hbm4b:s16+s3] =	stream.linear.scatter [tilespmem:s15], [sflag:$0x5], $0x80, $0x38;
	[tilespmem:$0x16E00] =	vst v63  }
0xbb: {  	p1 =	sne.s32 s21, $0x31;
	s17 =	sadd.s32 $0xE8A8, s12;
	s20 =	sadd.s32 $0x50, s13  }
0xbc: {  	[hbm4b:s20+s3] =	stream.linear.scatter [tilespmem:s17], [sflag:$0x5], $0x80, $0x38;
	[tilespmem:$0x16E00] =	vst v63  }
.Ltmp2:
0xbd: {  	_ = 	snop;
	(pc) =	sbr.rel @p1 .LBB2_8-.Ltmp2, $4  }
0xbe: {  	s15 =	sadd.s32 $0xE930, s12;
	s16 =	sadd.s32 $0x60, s13  }
0xbf: {  	[hbm4b:s16+s3] =	stream.linear.scatter [tilespmem:s15], [sflag:$0x5], $0x80, $0x38;
	[tilespmem:$0x16E00] =	vst v63  }
0xc0: {  	s17 =	sadd.s32 $0xE9B8, s12;
	s20 =	sadd.s32 $0x70, s13  }
0xc1: {  	[hbm4b:s20+s3] =	stream.linear.scatter [tilespmem:s17], [sflag:$0x5], $0x80, $0x38;
	[tilespmem:$0x16E00] =	vst v63  }
.Ltmp3:
0xc2: {  	(pc) =	sbr.rel .LBB2_9-.Ltmp3, $4  }
0xc3: {  	_ = 	snop  }
0xc4: {  	_ =	swait.ge [sflag:s24], $0x2000  }
0xc5: {  	[sflag:s24] =	ssyncset.done $0x0  }
0xc6: {  	[sflag:s24] =	ssyncadd.s32 $0xFFFFE000  }
.LBB2_8:
0xc7: {  	v4 =	vld [tilespmem:s5+$0x200];
	_ =	sdelay $0x4  }
0xc8: {  	v4 =	vxor.u32 $0xFFFFFFFF, v4  }
0xc9: {  	[tilespmem:$0x6400] =	vst v4  }
0xca: {  	v4 =	vld [tilespmem:s5+$0x210];
	_ =	sdelay $0x4  }
0xcb: {  	v4 =	vxor.u32 $0xFFFFFFFF, v4  }
0xcc: {  	[tilespmem:$0x6410] =	vst v4  }
0xcd: {  	v4 =	vld [tilespmem:s5+$0x220];
	_ =	sdelay $0x4  }
0xce: {  	v4 =	vxor.u32 $0xFFFFFFFF, v4  }
0xcf: {  	[tilespmem:$0x6420] =	vst v4  }
0xd0: {  	v4 =	vld [tilespmem:s5+$0x230];
	_ =	sdelay $0x4  }
0xd1: {  	v4 =	vxor.u32 $0xFFFFFFFF, v4  }
0xd2: {  	[tilespmem:$0x6430] =	vst v4  }
0xd3: {  	v4 =	vld [tilespmem:s5+$0x240];
	_ =	sdelay $0x4  }
0xd4: {  	v4 =	vxor.u32 $0xFFFFFFFF, v4  }
0xd5: {  	[tilespmem:$0x6440] =	vst v4  }
0xd6: {  	v4 =	vld [tilespmem:s5+$0x250];
	_ =	sdelay $0x4  }
0xd7: {  	v4 =	vxor.u32 $0xFFFFFFFF, v4  }
0xd8: {  	[tilespmem:$0x6450] =	vst v4  }
0xd9: {  	v4 =	vld [tilespmem:s5+$0x260];
	_ =	sdelay $0x4  }
0xda: {  	v4 =	vxor.u32 $0xFFFFFFFF, v4  }
0xdb: {  	[tilespmem:$0x6460] =	vst v4  }
0xdc: {  	v4 =	vld [tilespmem:s5+$0x270];
	_ =	sdelay $0x4  }
0xdd: {  	v4 =	vxor.u32 $0xFFFFFFFF, v4  }
.Ltmp4:
0xde: {  	s12 =	simm.s32 $0x6400;
	s13 =	simm.s32 $0x6600;
	[tilespmem:$0x6470] =	vst v4;
	(pc) =	sbr.rel @p0 .LBB2_10-.Ltmp4, $4  }
0xdf: {  	[tilespmem:s13], [sflag:$0x1] =	stream.indirect.gather [hbm4b:s4+s11], $0x40, s12, s11, $0xb8;
	[tilespmem:$0x16E00] =	vst v63  }
0xe0: {  	_ =	swait.ge [sflag:s24], $0x2000  }
0xe1: {  	[sflag:s24] =	ssyncset.done $0x0  }
0xe2: {  	[sflag:s24] =	ssyncadd.s32 $0xFFFFE000  }
.LBB2_9:
0xe3: {  	_ =	swait.ge [sflag:s25], $0x2000  }
0xe4: {  	[sflag:s25] =	ssyncset.done $0x0  }
0xe5: {  	[sflag:s25] =	ssyncadd.s32 $0xFFFFE000  }
.LBB2_10:
0xe6: {  	s12 =	simm.s32 $0x3  }
0xe7: {  	v4 =	vmov s12  }
0xe8: {  	s15 =	simm.s32 $0x8680;
	s13 =	simm.s32 $0x0;
	v4 =	vand.u32 $0x7F, v4  }
0xe9: {  	v5 =	vld [tilespmem:s15+$0x40];
	v9 =	vmov s13;
	v6 =	vadd.s32 v0, v4  }
0xea: {  	v7 =	vld [tilespmem:s15+$0x50];
	v9 =	vand.u32 $0x7C, v9;
	v8 =	vadd.s32 v1, v4  }
0xeb: {  	v13 =	vld [tilespmem:s15+$0xFFFFFF80];
	v14 =	vadd.s32 v0, v9  }
0xec: {  	v10 =	vld [tilespmem:s15+$0x60];
	v11 =	vadd.s32 v2, v4  }
0xed: {  	v12 =	vld [tilespmem:s15+$0x70];
	v4 =	vadd.s32 v3, v4  }
0xee: {  	s16 =	simm.s32 $0x1;
	v15 =	vld [tilespmem:s15+$0xFFFFFF90];
	v16 =	vadd.s32 v1, v9;
	[tilespmem:v6+s26+$0x0] =	vst.idx.msk $0xffff, v5  }
0xef: {  	v17 =	vmov s16;
	v5 =	vld [tilespmem:s15+$0xFFFFFFA0];
	v6 =	vadd.s32 v2, v9;
	[tilespmem:v8+s26+$0x0] =	vst.idx.msk $0xffff, v7  }
0xf0: {  	v7 =	vld [tilespmem:s15+$0xFFFFFFB0];
	v8 =	vadd.s32 v3, v9;
	v9 =	vand.u32 $0x7D, v17;
	[tilespmem:v14+s26+$0x0] =	vst.idx.msk $0xffff, v13  }
0xf1: {  	[tilespmem:v11+s26+$0x0] =	vst.idx.msk $0xffff, v10;
	v10 =	vld [tilespmem:s15+$0xFFFFFFC0];
	v11 =	vadd.s32 v0, v9  }
0xf2: {  	v13 =	vadd.s32 v1, v9;
	[tilespmem:v4+s26+$0x0] =	vst.idx.msk $0xffff, v12;
	v12 =	vld [tilespmem:s15+$0xFFFFFFD0]  }
0xf3: {  	s17 =	simm.s32 $0x2;
	[tilespmem:v16+s26+$0x0] =	vst.idx.msk $0xffff, v15  }
0xf4: {  	v14 =	vld [tilespmem:s15+$0xFFFFFFE0];
	v15 =	vadd.s32 v2, v9;
	[tilespmem:v6+s26+$0x0] =	vst.idx.msk $0xffff, v5;
	v5 =	vmov s17  }
0xf5: {  	v63 =	vld [tilespmem:s15+$0xFFFFFFF0];
	v17 =	vadd.s32 v3, v9;
	v9 =	vand.u32 $0x7E, v5  }
0xf6: {  	v4 =	vld [tilespmem:s15+$0x0];
	[tilespmem:v11+s26+$0x0] =	vst.idx.msk $0xffff, v10;
	v11 =	vadd.s32 v0, v9  }
0xf7: {  	s20 =	simm.s32 $0x7;
	v5 =	vld [tilespmem:s15+$0x10];
	[tilespmem:v13+s26+$0x0] =	vst.idx.msk $0xffff, v12;
	v12 =	vadd.s32 v1, v9  }
0xf8: {  	v6 =	vld [tilespmem:s15+$0x20];
	[tilespmem:v8+s26+$0x0] =	vst.idx.msk $0xffff, v7;
	v8 =	vmov s20;
	v7 =	vadd.s32 v2, v9  }
0xf9: {  	s12 =	simm.s32 $0x8780;
	v13 =	vand.u32 $0x7F, v8;
	v8 =	vld [tilespmem:s15+$0x30];
	[tilespmem:v15+s26+$0x0] =	vst.idx.msk $0xffff, v14;
	v14 =	vadd.s32 v3, v9  }
0xfa: {  	s14 =	simm.s32 $0x8;
	s13 =	sadd.s32 $0x1, s21;
	s20 =	simm.s32 $0x4;
	v9 =	vld [tilespmem:s12+$0x40];
	v10 =	vadd.s32 v0, v13;
	[tilespmem:v17+s26+$0x0] =	vst.idx.msk $0xffff, v63  }
.LBB2_11:
0xfb: {  	p2 =	slt.u32 s14, $0x7C;
	v15 =	vld [tilespmem:s12+$0x50];
	v16 =	vadd.s32 v1, v13;
	[tilespmem:v11+s26+$0x0] =	vst.idx.msk $0xffff, v4  }
0xfc: {  	v4 =	vmov s20;
	v17 =	vadd.s32 v2, v13;
	v11 =	vld [tilespmem:s12+$0x60];
	[tilespmem:v12+s26+$0x0] =	vst.idx.msk $0xffff, v5  }
0xfd: {  	v4 =	vand.u32 $0x7C, v4;
	v12 =	vadd.s32 v3, v13;
	v5 =	vld [tilespmem:s12+$0x70];
	[tilespmem:v7+s26+$0x0] =	vst.idx.msk $0xffff, v6  }
0xfe: {  	v7 =	vadd.s32 v0, v4;
	v6 =	vld [tilespmem:s12+$0xFFFFFF80];
	[tilespmem:v14+s26+$0x0] =	vst.idx.msk $0xffff, v8  }
0xff: {  	s15 =	sadd.s32 $0x1, s20;
	v13 =	vadd.s32 v1, v4;
	v8 =	vld [tilespmem:s12+$0xFFFFFF90];
	[tilespmem:v10+s26+$0x0] =	vst.idx.msk $0xffff, v9  }
0x100: {  	v14 =	vmov s15;
	v10 =	vadd.s32 v2, v4;
	v9 =	vld [tilespmem:s12+$0xFFFFFFA0];
	[tilespmem:v16+s26+$0x0] =	vst.idx.msk $0xffff, v15  }
0x101: {  	v4 =	vadd.s32 v3, v4;
	v14 =	vand.u32 $0x7D, v14;
	v15 =	vld [tilespmem:s12+$0xFFFFFFB0];
	[tilespmem:v17+s26+$0x0] =	vst.idx.msk $0xffff, v11  }
0x102: {  	v17 =	vadd.s32 v0, v14;
	v16 =	vld [tilespmem:s12+$0xFFFFFFC0];
	[tilespmem:v12+s26+$0x0] =	vst.idx.msk $0xffff, v5  }
0x103: {  	s15 =	sadd.s32 $0x2, s20;
	s20 =	smov.u32 s14;
	[tilespmem:v7+s26+$0x0] =	vst.idx.msk $0xffff, v6;
	v6 =	vld [tilespmem:s12+$0xFFFFFFD0];
	v7 =	vadd.s32 v1, v14  }
0x104: {  	v18 =	vadd.s32 v2, v14;
	v5 =	vmov s15;
	[tilespmem:v13+s26+$0x0] =	vst.idx.msk $0xffff, v8;
	v8 =	vld [tilespmem:s12+$0xFFFFFFE0]  }
0x105: {  	v20 =	vadd.s32 v3, v14;
	[tilespmem:v10+s26+$0x0] =	vst.idx.msk $0xffff, v9;
	v19 =	vld [tilespmem:s12+$0xFFFFFFF0];
	v9 =	vand.u32 $0x7E, v5  }
.Ltmp5:
0x106: {  	[tilespmem:v4+s26+$0x0] =	vst.idx.msk $0xffff, v15;
	v4 =	vld [tilespmem:s12+$0x0];
	v11 =	vadd.s32 v0, v9;
	(pc) =	sbr.rel @p2 .LBB2_11-.Ltmp5, $4  }
0x107: {  	s15 =	sadd.s32 $0x3, s14;
	v12 =	vadd.s32 v1, v9;
	[tilespmem:v17+s26+$0x0] =	vst.idx.msk $0xffff, v16;
	v5 =	vld [tilespmem:s12+$0x10]  }
0x108: {  	v10 =	vmov s15;
	[tilespmem:v7+s26+$0x0] =	vst.idx.msk $0xffff, v6;
	v6 =	vld [tilespmem:s12+$0x20];
	v7 =	vadd.s32 v2, v9  }
0x109: {  	v13 =	vand.u32 $0x7F, v10;
	v14 =	vadd.s32 v3, v9;
	[tilespmem:v18+s26+$0x0] =	vst.idx.msk $0xffff, v8;
	v8 =	vld [tilespmem:s12+$0x30];
	s12 =	sadd.s32 $0x100, s12  }
0x10a: {  	s14 =	sadd.s32 $0x4, s14;
	v10 =	vadd.s32 v0, v13;
	v9 =	vld [tilespmem:s12+$0x40];
	[tilespmem:v20+s26+$0x0] =	vst.idx.msk $0xffff, v19  }
0x10b: {  	_ =	sdelay $0x3  }
0x10c: {  	v15 =	vld [tilespmem:s12+$0x50];
	v16 =	vadd.s32 v1, v13;
	[tilespmem:v11+s26+$0x0] =	vst.idx.msk $0xffff, v4  }
0x10d: {  	v4 =	vmov s20;
	v40 =	vld [tilespmem:s12+$0x60];
	v17 =	vadd.s32 v2, v13;
	[tilespmem:v12+s26+$0x0] =	vst.idx.msk $0xffff, v5  }
0x10e: {  	v41 =	vadd.s32 v3, v13;
	v4 =	vand.u32 $0x7C, v4;
	v5 =	vld [tilespmem:s12+$0x70];
	[tilespmem:v7+s26+$0x0] =	vst.idx.msk $0xffff, v6  }
0x10f: {  	v42 =	vld [tilespmem:s12+$0xFFFFFF80];
	v43 =	vadd.s32 v0, v4;
	[tilespmem:v14+s26+$0x0] =	vst.idx.msk $0xffff, v8  }
0x110: {  	v44 =	vld [tilespmem:s12+$0xFFFFFF90];
	s14 =	sadd.s32 $0x1, s20;
	v45 =	vadd.s32 v1, v4;
	[tilespmem:v10+s26+$0x0] =	vst.idx.msk $0xffff, v9  }
0x111: {  	v46 =	vld [tilespmem:s12+$0xFFFFFFA0];
	v48 =	vmov s14;
	v47 =	vadd.s32 v2, v4;
	[tilespmem:v16+s26+$0x0] =	vst.idx.msk $0xffff, v15  }
0x112: {  	v49 =	vld [tilespmem:s12+$0xFFFFFFB0];
	v4 =	vadd.s32 v3, v4;
	v14 =	vand.u32 $0x7D, v48;
	[tilespmem:v17+s26+$0x0] =	vst.idx.msk $0xffff, v40  }
0x113: {  	v50 =	vld [tilespmem:s12+$0xFFFFFFC0];
	v51 =	vadd.s32 v0, v14;
	[tilespmem:v41+s26+$0x0] =	vst.idx.msk $0xffff, v5  }
0x114: {  	s20 =	sadd.s32 $0x2, s20;
	v52 =	vadd.s32 v1, v14;
	[tilespmem:v43+s26+$0x0] =	vst.idx.msk $0xffff, v42;
	v5 =	vld [tilespmem:s12+$0xFFFFFFD0]  }
0x115: {  	v53 =	vld [tilespmem:s12+$0xFFFFFFE0];
	v55 =	vmov s20;
	v54 =	vadd.s32 v2, v14;
	[tilespmem:v45+s26+$0x0] =	vst.idx.msk $0xffff, v44  }
0x116: {  	v56 =	vld [tilespmem:s12+$0xFFFFFFF0];
	v12 =	vand.u32 $0x7E, v55;
	v57 =	vadd.s32 v3, v14;
	[tilespmem:v47+s26+$0x0] =	vst.idx.msk $0xffff, v46  }
0x117: {  	v58 =	vadd.s32 v0, v12;
	[tilespmem:v4+s26+$0x0] =	vst.idx.msk $0xffff, v49;
	v4 =	vld [tilespmem:s12+$0x0]  }
0x118: {  	v59 =	vld [tilespmem:s12+$0x10];
	v60 =	vadd.s32 v1, v12;
	[tilespmem:v51+s26+$0x0] =	vst.idx.msk $0xffff, v50  }
0x119: {  	v61 =	vadd.s32 v2, v12;
	[tilespmem:v52+s26+$0x0] =	vst.idx.msk $0xffff, v5;
	v5 =	vld [tilespmem:s12+$0x20]  }
0x11a: {  	v62 =	vld [tilespmem:s12+$0x30];
	v63 =	vadd.s32 v3, v12;
	[tilespmem:v54+s26+$0x0] =	vst.idx.msk $0xffff, v53  }
0x11b: {  	[tilespmem:v57+s26+$0x0] =	vst.idx.msk $0xffff, v56  }
0x11c: {  	[tilespmem:v58+s26+$0x0] =	vst.idx.msk $0xffff, v4  }
0x11d: {  	[tilespmem:v60+s26+$0x0] =	vst.idx.msk $0xffff, v59  }
0x11e: {  	[tilespmem:v61+s26+$0x0] =	vst.idx.msk $0xffff, v5  }
0x11f: {  	s15 =	simm.s32 $0x10800;
	s14 =	sadd.s32 s10, s7;
	[tilespmem:v63+s26+$0x0] =	vst.idx.msk $0xffff, v62  }
0x120: {  	[hbm4b:s14+s3] =	stream.linear.scatter [tilespmem:s15], [sflag:$0x6], $0x80, $0x38;
	[tilespmem:$0x16E00] =	vst v63  }
0x121: {  	s16 =	simm.s32 $0x10888;
	s15 =	sadd.s32 $0x10, s14  }
0x122: {  	[hbm4b:s15+s3] =	stream.linear.scatter [tilespmem:s16], [sflag:$0x6], $0x80, $0x38;
	[tilespmem:$0x16E00] =	vst v63  }
0x123: {  	s17 =	simm.s32 $0x10910;
	s20 =	sadd.s32 $0x20, s14  }
0x124: {  	[hbm4b:s20+s3] =	stream.linear.scatter [tilespmem:s17], [sflag:$0x6], $0x80, $0x38;
	[tilespmem:$0x16E00] =	vst v63  }
0x125: {  	s15 =	simm.s32 $0x10998;
	s16 =	sadd.s32 $0x30, s14  }
0x126: {  	[hbm4b:s16+s3] =	stream.linear.scatter [tilespmem:s15], [sflag:$0x6], $0x80, $0x38;
	[tilespmem:$0x16E00] =	vst v63  }
0x127: {  	s17 =	simm.s32 $0x10A20;
	s20 =	sadd.s32 $0x40, s14  }
0x128: {  	[hbm4b:s20+s3] =	stream.linear.scatter [tilespmem:s17], [sflag:$0x6], $0x80, $0x38;
	[tilespmem:$0x16E00] =	vst v63  }
0x129: {  	s12 =	simm.s32 $0x440;
	s15 =	simm.s32 $0x10AA8;
	s16 =	sadd.s32 $0x50, s14  }
0x12a: {  	[hbm4b:s16+s3] =	stream.linear.scatter [tilespmem:s15], [sflag:$0x6], $0x80, $0x38;
	[tilespmem:$0x16E00] =	vst v63  }
0x12b: {  	s17 =	simm.s32 $0x10B30;
	s20 =	sadd.s32 $0x60, s14;
	s15 =	simm.s32 $0x10BB8  }
0x12c: {  	[hbm4b:s20+s3] =	stream.linear.scatter [tilespmem:s17], [sflag:$0x6], $0x80, $0x38;
	[tilespmem:$0x16E00] =	vst v63  }
0x12d: {  	s16 =	sadd.s32 $0x70, s14;
	s14 =	sadd.s32 $0x1000, s14;
	s20 =	simm.s32 $0x2200  }
.LBB2_13:
0x12e: {  	[hbm4b:s16+s3] =	stream.linear.scatter [tilespmem:s15], [sflag:$0x6], $0x80, $0x38;
	[tilespmem:$0x16E00] =	vst v63  }
0x12f: {  	s15 =	smov.u32 s12;
	s12 =	smov.u32 s20  }
0x130: {  	s17 =	sadd.s32 $0x1100, s20;
	s12 =	sshra.s32 s12, $0x2;
	s16 =	sadd.s32 $0x10800, s15  }
0x131: {  	[hbm4b:s14+s3] =	stream.linear.scatter [tilespmem:s16], [sflag:$0x6], $0x80, $0x38;
	[tilespmem:$0x16E00] =	vst v63  }
0x132: {  	p2 =	sne.s32 s20, $0x7700;
	s20 =	sadd.s32 $0x10, s14;
	s16 =	sadd.s32 $0x10888, s15  }
0x133: {  	[hbm4b:s20+s3] =	stream.linear.scatter [tilespmem:s16], [sflag:$0x6], $0x80, $0x38;
	[tilespmem:$0x16E00] =	vst v63  }
0x134: {  	s16 =	sadd.s32 $0x10910, s15;
	s20 =	sadd.s32 $0x20, s14  }
0x135: {  	[hbm4b:s20+s3] =	stream.linear.scatter [tilespmem:s16], [sflag:$0x6], $0x80, $0x38;
	[tilespmem:$0x16E00] =	vst v63  }
0x136: {  	s16 =	sadd.s32 $0x10998, s15;
	s20 =	sadd.s32 $0x30, s14  }
0x137: {  	[hbm4b:s20+s3] =	stream.linear.scatter [tilespmem:s16], [sflag:$0x6], $0x80, $0x38;
	[tilespmem:$0x16E00] =	vst v63  }
0x138: {  	s16 =	sadd.s32 $0x10A20, s15;
	s20 =	sadd.s32 $0x40, s14  }
0x139: {  	[hbm4b:s20+s3] =	stream.linear.scatter [tilespmem:s16], [sflag:$0x6], $0x80, $0x38;
	[tilespmem:$0x16E00] =	vst v63  }
.Ltmp6:
0x13a: {  	s16 =	sadd.s32 $0x10AA8, s15;
	s20 =	sadd.s32 $0x50, s14;
	(pc) =	sbr.rel @p2 .LBB2_13-.Ltmp6, $4  }
0x13b: {  	[hbm4b:s20+s3] =	stream.linear.scatter [tilespmem:s16], [sflag:$0x6], $0x80, $0x38;
	[tilespmem:$0x16E00] =	vst v63  }
0x13c: {  	s16 =	sadd.s32 $0x10B30, s15;
	s20 =	sadd.s32 $0x60, s14;
	s15 =	sadd.s32 $0x10BB8, s15  }
0x13d: {  	[hbm4b:s20+s3] =	stream.linear.scatter [tilespmem:s16], [sflag:$0x6], $0x80, $0x38;
	[tilespmem:$0x16E00] =	vst v63  }
0x13e: {  	s16 =	sadd.s32 $0x70, s14;
	s14 =	sadd.s32 $0x1000, s14;
	s20 =	smov.u32 s17  }
0x13f: {  	[hbm4b:s16+s3] =	stream.linear.scatter [tilespmem:s15], [sflag:$0x6], $0x80, $0x38;
	[tilespmem:$0x16E00] =	vst v63  }
0x140: {  	s16 =	sadd.s32 $0x10800, s12  }
0x141: {  	[hbm4b:s14+s3] =	stream.linear.scatter [tilespmem:s16], [sflag:$0x6], $0x80, $0x38;
	[tilespmem:$0x16E00] =	vst v63  }
0x142: {  	s17 =	sadd.s32 $0x10888, s12;
	s20 =	sadd.s32 $0x10, s14  }
0x143: {  	[hbm4b:s20+s3] =	stream.linear.scatter [tilespmem:s17], [sflag:$0x6], $0x80, $0x38;
	[tilespmem:$0x16E00] =	vst v63  }
0x144: {  	s17 =	sadd.s32 $0x10910, s12;
	s20 =	sadd.s32 $0x20, s14  }
0x145: {  	[hbm4b:s20+s3] =	stream.linear.scatter [tilespmem:s17], [sflag:$0x6], $0x80, $0x38;
	[tilespmem:$0x16E00] =	vst v63  }
0x146: {  	s17 =	sadd.s32 $0x10998, s12;
	s20 =	sadd.s32 $0x30, s14  }
0x147: {  	[hbm4b:s20+s3] =	stream.linear.scatter [tilespmem:s17], [sflag:$0x6], $0x80, $0x38;
	[tilespmem:$0x16E00] =	vst v63  }
0x148: {  	s17 =	sadd.s32 $0x10A20, s12;
	s20 =	sadd.s32 $0x40, s14  }
0x149: {  	[hbm4b:s20+s3] =	stream.linear.scatter [tilespmem:s17], [sflag:$0x6], $0x80, $0x38;
	[tilespmem:$0x16E00] =	vst v63  }
0x14a: {  	s17 =	sadd.s32 $0x10AA8, s12;
	s20 =	sadd.s32 $0x50, s14  }
0x14b: {  	[hbm4b:s20+s3] =	stream.linear.scatter [tilespmem:s17], [sflag:$0x6], $0x80, $0x38;
	[tilespmem:$0x16E00] =	vst v63  }
.Ltmp7:
0x14c: {  	_ = 	snop;
	(pc) =	sbr.rel @p1 .LBB2_16-.Ltmp7, $4  }
0x14d: {  	s17 =	sadd.s32 $0x10B30, s12;
	s20 =	sadd.s32 $0x60, s14  }
0x14e: {  	[hbm4b:s20+s3] =	stream.linear.scatter [tilespmem:s17], [sflag:$0x6], $0x80, $0x38;
	[tilespmem:$0x16E00] =	vst v63  }
0x14f: {  	s17 =	sadd.s32 $0x10BB8, s12;
	s20 =	sadd.s32 $0x70, s14  }
0x150: {  	[hbm4b:s20+s3] =	stream.linear.scatter [tilespmem:s17], [sflag:$0x6], $0x80, $0x38;
	[tilespmem:$0x16E00] =	vst v63  }
.Ltmp8:
0x151: {  	(pc) =	sbr.rel .LBB2_17-.Ltmp8, $4  }
0x152: {  	_ = 	snop  }
0x153: {  	_ =	swait.ge [sflag:s28], $0x2000  }
0x154: {  	[sflag:s28] =	ssyncset.done $0x0  }
0x155: {  	[sflag:s28] =	ssyncadd.s32 $0xFFFFE000  }
.LBB2_16:
0x156: {  	v4 =	vld [tilespmem:s5+$0x280];
	_ =	sdelay $0x4  }
0x157: {  	v4 =	vxor.u32 $0xFFFFFFFF, v4  }
0x158: {  	[tilespmem:$0x6480] =	vst v4  }
0x159: {  	v4 =	vld [tilespmem:s5+$0x290];
	_ =	sdelay $0x4  }
0x15a: {  	v4 =	vxor.u32 $0xFFFFFFFF, v4  }
0x15b: {  	[tilespmem:$0x6490] =	vst v4  }
0x15c: {  	v4 =	vld [tilespmem:s5+$0x2A0];
	_ =	sdelay $0x4  }
0x15d: {  	v4 =	vxor.u32 $0xFFFFFFFF, v4  }
0x15e: {  	[tilespmem:$0x64A0] =	vst v4  }
0x15f: {  	v4 =	vld [tilespmem:s5+$0x2B0];
	_ =	sdelay $0x4  }
0x160: {  	v4 =	vxor.u32 $0xFFFFFFFF, v4  }
0x161: {  	[tilespmem:$0x64B0] =	vst v4  }
0x162: {  	v4 =	vld [tilespmem:s5+$0x2C0];
	_ =	sdelay $0x4  }
0x163: {  	v4 =	vxor.u32 $0xFFFFFFFF, v4  }
0x164: {  	[tilespmem:$0x64C0] =	vst v4  }
0x165: {  	v4 =	vld [tilespmem:s5+$0x2D0];
	_ =	sdelay $0x4  }
0x166: {  	v4 =	vxor.u32 $0xFFFFFFFF, v4  }
0x167: {  	[tilespmem:$0x64D0] =	vst v4  }
0x168: {  	v4 =	vld [tilespmem:s5+$0x2E0];
	_ =	sdelay $0x4  }
0x169: {  	v4 =	vxor.u32 $0xFFFFFFFF, v4  }
0x16a: {  	[tilespmem:$0x64E0] =	vst v4  }
0x16b: {  	v4 =	vld [tilespmem:s5+$0x2F0];
	_ =	sdelay $0x4  }
0x16c: {  	v4 =	vxor.u32 $0xFFFFFFFF, v4  }
.Ltmp9:
0x16d: {  	s12 =	simm.s32 $0x6480;
	s14 =	simm.s32 $0x8600;
	[tilespmem:$0x64F0] =	vst v4;
	(pc) =	sbr.rel @p0 .LBB2_18-.Ltmp9, $4  }
0x16e: {  	[tilespmem:s14], [sflag:$0x2] =	stream.indirect.gather [hbm4b:s4+s11], $0x40, s12, s11, $0xb8;
	[tilespmem:$0x16E00] =	vst v63  }
0x16f: {  	_ =	swait.ge [sflag:s28], $0x2000  }
0x170: {  	[sflag:s28] =	ssyncset.done $0x0  }
0x171: {  	[sflag:s28] =	ssyncadd.s32 $0xFFFFE000  }
.LBB2_17:
0x172: {  	_ =	swait.ge [sflag:s29], $0x2000  }
0x173: {  	[sflag:s29] =	ssyncset.done $0x0  }
0x174: {  	[sflag:s29] =	ssyncadd.s32 $0xFFFFE000  }
.LBB2_18:
0x175: {  	s12 =	simm.s32 $0x3  }
0x176: {  	v4 =	vmov s12  }
0x177: {  	s15 =	simm.s32 $0xA680;
	s14 =	simm.s32 $0x0;
	v4 =	vand.u32 $0x7F, v4  }
0x178: {  	v5 =	vld [tilespmem:s15+$0x40];
	v9 =	vmov s14;
	v6 =	vadd.s32 v0, v4  }
0x179: {  	v7 =	vld [tilespmem:s15+$0x50];
	v9 =	vand.u32 $0x7C, v9;
	v8 =	vadd.s32 v1, v4  }
0x17a: {  	v13 =	vld [tilespmem:s15+$0xFFFFFF80];
	v14 =	vadd.s32 v0, v9  }
0x17b: {  	v10 =	vld [tilespmem:s15+$0x60];
	v11 =	vadd.s32 v2, v4  }
0x17c: {  	v12 =	vld [tilespmem:s15+$0x70];
	v4 =	vadd.s32 v3, v4  }
0x17d: {  	s16 =	simm.s32 $0x1;
	v15 =	vld [tilespmem:s15+$0xFFFFFF90];
	v16 =	vadd.s32 v1, v9;
	[tilespmem:v6+s30+$0x0] =	vst.idx.msk $0xffff, v5  }
0x17e: {  	v17 =	vmov s16;
	v5 =	vld [tilespmem:s15+$0xFFFFFFA0];
	v6 =	vadd.s32 v2, v9;
	[tilespmem:v8+s30+$0x0] =	vst.idx.msk $0xffff, v7  }
0x17f: {  	v7 =	vld [tilespmem:s15+$0xFFFFFFB0];
	v8 =	vadd.s32 v3, v9;
	v9 =	vand.u32 $0x7D, v17;
	[tilespmem:v14+s30+$0x0] =	vst.idx.msk $0xffff, v13  }
0x180: {  	[tilespmem:v11+s30+$0x0] =	vst.idx.msk $0xffff, v10;
	v10 =	vld [tilespmem:s15+$0xFFFFFFC0];
	v11 =	vadd.s32 v0, v9  }
0x181: {  	v13 =	vadd.s32 v1, v9;
	[tilespmem:v4+s30+$0x0] =	vst.idx.msk $0xffff, v12;
	v12 =	vld [tilespmem:s15+$0xFFFFFFD0]  }
0x182: {  	s17 =	simm.s32 $0x2;
	[tilespmem:v16+s30+$0x0] =	vst.idx.msk $0xffff, v15  }
0x183: {  	v15 =	vld [tilespmem:s15+$0xFFFFFFE0];
	v62 =	vadd.s32 v2, v9;
	[tilespmem:v6+s30+$0x0] =	vst.idx.msk $0xffff, v5;
	v5 =	vmov s17  }
0x184: {  	v63 =	vld [tilespmem:s15+$0xFFFFFFF0];
	v18 =	vadd.s32 v3, v9;
	[tilespmem:v8+s30+$0x0] =	vst.idx.msk $0xffff, v7;
	v7 =	vand.u32 $0x7E, v5  }
0x185: {  	v4 =	vld [tilespmem:s15+$0x0];
	[tilespmem:v11+s30+$0x0] =	vst.idx.msk $0xffff, v10;
	v11 =	vadd.s32 v0, v7  }
0x186: {  	s20 =	simm.s32 $0x7;
	v5 =	vld [tilespmem:s15+$0x10];
	[tilespmem:v13+s30+$0x0] =	vst.idx.msk $0xffff, v12;
	v12 =	vadd.s32 v1, v7  }
0x187: {  	v9 =	vmov s20;
	v6 =	vld [tilespmem:s15+$0x20];
	v8 =	vadd.s32 v2, v7  }
0x188: {  	s12 =	simm.s32 $0xA780;
	v14 =	vand.u32 $0x7F, v9;
	v9 =	vld [tilespmem:s15+$0x30];
	v13 =	vadd.s32 v3, v7;
	[tilespmem:v62+s30+$0x0] =	vst.idx.msk $0xffff, v15  }
0x189: {  	s14 =	simm.s32 $0x8;
	s20 =	simm.s32 $0x4;
	v10 =	vadd.s32 v0, v14;
	v7 =	vld [tilespmem:s12+$0x40];
	[tilespmem:v18+s30+$0x0] =	vst.idx.msk $0xffff, v63  }
.LBB2_19:
0x18a: {  	p2 =	slt.u32 s14, $0x7C;
	v15 =	vld [tilespmem:s12+$0x50];
	v16 =	vadd.s32 v1, v14;
	[tilespmem:v11+s30+$0x0] =	vst.idx.msk $0xffff, v4  }
0x18b: {  	v4 =	vmov s20;
	v17 =	vadd.s32 v2, v14;
	v11 =	vld [tilespmem:s12+$0x60];
	[tilespmem:v12+s30+$0x0] =	vst.idx.msk $0xffff, v5  }
0x18c: {  	v4 =	vand.u32 $0x7C, v4;
	v12 =	vadd.s32 v3, v14;
	v5 =	vld [tilespmem:s12+$0x70];
	[tilespmem:v8+s30+$0x0] =	vst.idx.msk $0xffff, v6  }
0x18d: {  	v8 =	vadd.s32 v0, v4;
	v6 =	vld [tilespmem:s12+$0xFFFFFF80];
	[tilespmem:v13+s30+$0x0] =	vst.idx.msk $0xffff, v9  }
0x18e: {  	s15 =	sadd.s32 $0x1, s20;
	v13 =	vadd.s32 v1, v4;
	v9 =	vld [tilespmem:s12+$0xFFFFFF90];
	[tilespmem:v10+s30+$0x0] =	vst.idx.msk $0xffff, v7  }
0x18f: {  	v14 =	vmov s15;
	v10 =	vadd.s32 v2, v4;
	v7 =	vld [tilespmem:s12+$0xFFFFFFA0];
	[tilespmem:v16+s30+$0x0] =	vst.idx.msk $0xffff, v15  }
0x190: {  	v14 =	vand.u32 $0x7D, v14;
	v4 =	vadd.s32 v3, v4;
	v15 =	vld [tilespmem:s12+$0xFFFFFFB0];
	[tilespmem:v17+s30+$0x0] =	vst.idx.msk $0xffff, v11  }
0x191: {  	v17 =	vadd.s32 v0, v14;
	v16 =	vld [tilespmem:s12+$0xFFFFFFC0];
	[tilespmem:v12+s30+$0x0] =	vst.idx.msk $0xffff, v5  }
0x192: {  	s15 =	sadd.s32 $0x2, s20;
	s20 =	smov.u32 s14;
	[tilespmem:v8+s30+$0x0] =	vst.idx.msk $0xffff, v6;
	v6 =	vld [tilespmem:s12+$0xFFFFFFD0];
	v8 =	vadd.s32 v1, v14  }
0x193: {  	v5 =	vmov s15;
	[tilespmem:v13+s30+$0x0] =	vst.idx.msk $0xffff, v9;
	v9 =	vld [tilespmem:s12+$0xFFFFFFE0];
	v13 =	vadd.s32 v2, v14  }
0x194: {  	v19 =	vadd.s32 v3, v14;
	[tilespmem:v10+s30+$0x0] =	vst.idx.msk $0xffff, v7;
	v18 =	vld [tilespmem:s12+$0xFFFFFFF0];
	v7 =	vand.u32 $0x7E, v5  }
.Ltmp10:
0x195: {  	[tilespmem:v4+s30+$0x0] =	vst.idx.msk $0xffff, v15;
	v4 =	vld [tilespmem:s12+$0x0];
	v11 =	vadd.s32 v0, v7;
	(pc) =	sbr.rel @p2 .LBB2_19-.Ltmp10, $4  }
0x196: {  	s15 =	sadd.s32 $0x3, s14;
	v12 =	vadd.s32 v1, v7;
	[tilespmem:v17+s30+$0x0] =	vst.idx.msk $0xffff, v16;
	v5 =	vld [tilespmem:s12+$0x10]  }
0x197: {  	v10 =	vmov s15;
	[tilespmem:v8+s30+$0x0] =	vst.idx.msk $0xffff, v6;
	v6 =	vld [tilespmem:s12+$0x20];
	v8 =	vadd.s32 v2, v7  }
0x198: {  	v14 =	vand.u32 $0x7F, v10;
	[tilespmem:v13+s30+$0x0] =	vst.idx.msk $0xffff, v9;
	v9 =	vld [tilespmem:s12+$0x30];
	v13 =	vadd.s32 v3, v7;
	s12 =	sadd.s32 $0x100, s12  }
0x199: {  	s14 =	sadd.s32 $0x4, s14;
	v10 =	vadd.s32 v0, v14;
	v7 =	vld [tilespmem:s12+$0x40];
	[tilespmem:v19+s30+$0x0] =	vst.idx.msk $0xffff, v18  }
0x19a: {  	_ =	sdelay $0x3  }
0x19b: {  	v15 =	vld [tilespmem:s12+$0x50];
	v16 =	vadd.s32 v1, v14;
	[tilespmem:v11+s30+$0x0] =	vst.idx.msk $0xffff, v4  }
0x19c: {  	v4 =	vmov s20;
	v40 =	vld [tilespmem:s12+$0x60];
	v17 =	vadd.s32 v2, v14;
	[tilespmem:v12+s30+$0x0] =	vst.idx.msk $0xffff, v5  }
0x19d: {  	v41 =	vadd.s32 v3, v14;
	v4 =	vand.u32 $0x7C, v4;
	v5 =	vld [tilespmem:s12+$0x70];
	[tilespmem:v8+s30+$0x0] =	vst.idx.msk $0xffff, v6  }
0x19e: {  	v42 =	vld [tilespmem:s12+$0xFFFFFF80];
	v43 =	vadd.s32 v0, v4;
	[tilespmem:v13+s30+$0x0] =	vst.idx.msk $0xffff, v9  }
0x19f: {  	v44 =	vld [tilespmem:s12+$0xFFFFFF90];
	s14 =	sadd.s32 $0x1, s20;
	v45 =	vadd.s32 v1, v4;
	[tilespmem:v10+s30+$0x0] =	vst.idx.msk $0xffff, v7  }
0x1a0: {  	v46 =	vld [tilespmem:s12+$0xFFFFFFA0];
	v48 =	vmov s14;
	v47 =	vadd.s32 v2, v4;
	[tilespmem:v16+s30+$0x0] =	vst.idx.msk $0xffff, v15  }
0x1a1: {  	v49 =	vld [tilespmem:s12+$0xFFFFFFB0];
	v4 =	vadd.s32 v3, v4;
	v14 =	vand.u32 $0x7D, v48;
	[tilespmem:v17+s30+$0x0] =	vst.idx.msk $0xffff, v40  }
0x1a2: {  	v50 =	vld [tilespmem:s12+$0xFFFFFFC0];
	v51 =	vadd.s32 v0, v14;
	[tilespmem:v41+s30+$0x0] =	vst.idx.msk $0xffff, v5  }
0x1a3: {  	s20 =	sadd.s32 $0x2, s20;
	v52 =	vadd.s32 v1, v14;
	[tilespmem:v43+s30+$0x0] =	vst.idx.msk $0xffff, v42;
	v5 =	vld [tilespmem:s12+$0xFFFFFFD0]  }
0x1a4: {  	v53 =	vld [tilespmem:s12+$0xFFFFFFE0];
	v55 =	vmov s20;
	v54 =	vadd.s32 v2, v14;
	[tilespmem:v45+s30+$0x0] =	vst.idx.msk $0xffff, v44  }
0x1a5: {  	v56 =	vld [tilespmem:s12+$0xFFFFFFF0];
	v12 =	vand.u32 $0x7E, v55;
	v57 =	vadd.s32 v3, v14;
	[tilespmem:v47+s30+$0x0] =	vst.idx.msk $0xffff, v46  }
0x1a6: {  	v58 =	vadd.s32 v0, v12;
	[tilespmem:v4+s30+$0x0] =	vst.idx.msk $0xffff, v49;
	v4 =	vld [tilespmem:s12+$0x0]  }
0x1a7: {  	v59 =	vld [tilespmem:s12+$0x10];
	v60 =	vadd.s32 v1, v12;
	[tilespmem:v51+s30+$0x0] =	vst.idx.msk $0xffff, v50  }
0x1a8: {  	v61 =	vadd.s32 v2, v12;
	[tilespmem:v52+s30+$0x0] =	vst.idx.msk $0xffff, v5;
	v5 =	vld [tilespmem:s12+$0x20]  }
0x1a9: {  	v62 =	vld [tilespmem:s12+$0x30];
	v63 =	vadd.s32 v3, v12;
	[tilespmem:v54+s30+$0x0] =	vst.idx.msk $0xffff, v53  }
0x1aa: {  	[tilespmem:v57+s30+$0x0] =	vst.idx.msk $0xffff, v56  }
0x1ab: {  	[tilespmem:v58+s30+$0x0] =	vst.idx.msk $0xffff, v4  }
0x1ac: {  	[tilespmem:v60+s30+$0x0] =	vst.idx.msk $0xffff, v59  }
0x1ad: {  	[tilespmem:v61+s30+$0x0] =	vst.idx.msk $0xffff, v5  }
0x1ae: {  	s15 =	simm.s32 $0x12A00;
	s14 =	sadd.s32 s10, s8;
	[tilespmem:v63+s30+$0x0] =	vst.idx.msk $0xffff, v62  }
0x1af: {  	[hbm4b:s14+s3] =	stream.linear.scatter [tilespmem:s15], [sflag:$0x7], $0x80, $0x38;
	[tilespmem:$0x16E00] =	vst v63  }
0x1b0: {  	s16 =	simm.s32 $0x12A88;
	s15 =	sadd.s32 $0x10, s14  }
0x1b1: {  	[hbm4b:s15+s3] =	stream.linear.scatter [tilespmem:s16], [sflag:$0x7], $0x80, $0x38;
	[tilespmem:$0x16E00] =	vst v63  }
0x1b2: {  	s17 =	simm.s32 $0x12B10;
	s20 =	sadd.s32 $0x20, s14  }
0x1b3: {  	[hbm4b:s20+s3] =	stream.linear.scatter [tilespmem:s17], [sflag:$0x7], $0x80, $0x38;
	[tilespmem:$0x16E00] =	vst v63  }
0x1b4: {  	s15 =	simm.s32 $0x12B98;
	s16 =	sadd.s32 $0x30, s14  }
0x1b5: {  	[hbm4b:s16+s3] =	stream.linear.scatter [tilespmem:s15], [sflag:$0x7], $0x80, $0x38;
	[tilespmem:$0x16E00] =	vst v63  }
0x1b6: {  	s17 =	simm.s32 $0x12C20;
	s20 =	sadd.s32 $0x40, s14  }
0x1b7: {  	[hbm4b:s20+s3] =	stream.linear.scatter [tilespmem:s17], [sflag:$0x7], $0x80, $0x38;
	[tilespmem:$0x16E00] =	vst v63  }
0x1b8: {  	s12 =	simm.s32 $0x440;
	s15 =	simm.s32 $0x12CA8;
	s16 =	sadd.s32 $0x50, s14  }
0x1b9: {  	[hbm4b:s16+s3] =	stream.linear.scatter [tilespmem:s15], [sflag:$0x7], $0x80, $0x38;
	[tilespmem:$0x16E00] =	vst v63  }
0x1ba: {  	s17 =	simm.s32 $0x12D30;
	s20 =	sadd.s32 $0x60, s14;
	s15 =	simm.s32 $0x12DB8  }
0x1bb: {  	[hbm4b:s20+s3] =	stream.linear.scatter [tilespmem:s17], [sflag:$0x7], $0x80, $0x38;
	[tilespmem:$0x16E00] =	vst v63  }
0x1bc: {  	s16 =	sadd.s32 $0x70, s14;
	s14 =	sadd.s32 $0x1000, s14;
	s20 =	simm.s32 $0x2200  }
.LBB2_21:
0x1bd: {  	[hbm4b:s16+s3] =	stream.linear.scatter [tilespmem:s15], [sflag:$0x7], $0x80, $0x38;
	[tilespmem:$0x16E00] =	vst v63  }
0x1be: {  	s15 =	smov.u32 s12;
	s12 =	smov.u32 s20  }
0x1bf: {  	s17 =	sadd.s32 $0x1100, s20;
	s12 =	sshra.s32 s12, $0x2;
	s16 =	sadd.s32 $0x12A00, s15  }
0x1c0: {  	[hbm4b:s14+s3] =	stream.linear.scatter [tilespmem:s16], [sflag:$0x7], $0x80, $0x38;
	[tilespmem:$0x16E00] =	vst v63  }
0x1c1: {  	p2 =	sne.s32 s20, $0x7700;
	s20 =	sadd.s32 $0x10, s14;
	s16 =	sadd.s32 $0x12A88, s15  }
0x1c2: {  	[hbm4b:s20+s3] =	stream.linear.scatter [tilespmem:s16], [sflag:$0x7], $0x80, $0x38;
	[tilespmem:$0x16E00] =	vst v63  }
0x1c3: {  	s16 =	sadd.s32 $0x12B10, s15;
	s20 =	sadd.s32 $0x20, s14  }
0x1c4: {  	[hbm4b:s20+s3] =	stream.linear.scatter [tilespmem:s16], [sflag:$0x7], $0x80, $0x38;
	[tilespmem:$0x16E00] =	vst v63  }
0x1c5: {  	s16 =	sadd.s32 $0x12B98, s15;
	s20 =	sadd.s32 $0x30, s14  }
0x1c6: {  	[hbm4b:s20+s3] =	stream.linear.scatter [tilespmem:s16], [sflag:$0x7], $0x80, $0x38;
	[tilespmem:$0x16E00] =	vst v63  }
0x1c7: {  	s16 =	sadd.s32 $0x12C20, s15;
	s20 =	sadd.s32 $0x40, s14  }
0x1c8: {  	[hbm4b:s20+s3] =	stream.linear.scatter [tilespmem:s16], [sflag:$0x7], $0x80, $0x38;
	[tilespmem:$0x16E00] =	vst v63  }
.Ltmp11:
0x1c9: {  	s16 =	sadd.s32 $0x12CA8, s15;
	s20 =	sadd.s32 $0x50, s14;
	(pc) =	sbr.rel @p2 .LBB2_21-.Ltmp11, $4  }
0x1ca: {  	[hbm4b:s20+s3] =	stream.linear.scatter [tilespmem:s16], [sflag:$0x7], $0x80, $0x38;
	[tilespmem:$0x16E00] =	vst v63  }
0x1cb: {  	s16 =	sadd.s32 $0x12D30, s15;
	s20 =	sadd.s32 $0x60, s14;
	s15 =	sadd.s32 $0x12DB8, s15  }
0x1cc: {  	[hbm4b:s20+s3] =	stream.linear.scatter [tilespmem:s16], [sflag:$0x7], $0x80, $0x38;
	[tilespmem:$0x16E00] =	vst v63  }
0x1cd: {  	s16 =	sadd.s32 $0x70, s14;
	s14 =	sadd.s32 $0x1000, s14;
	s20 =	smov.u32 s17  }
0x1ce: {  	[hbm4b:s16+s3] =	stream.linear.scatter [tilespmem:s15], [sflag:$0x7], $0x80, $0x38;
	[tilespmem:$0x16E00] =	vst v63  }
0x1cf: {  	s16 =	sadd.s32 $0x12A00, s12  }
0x1d0: {  	[hbm4b:s14+s3] =	stream.linear.scatter [tilespmem:s16], [sflag:$0x7], $0x80, $0x38;
	[tilespmem:$0x16E00] =	vst v63  }
0x1d1: {  	s17 =	sadd.s32 $0x12A88, s12;
	s20 =	sadd.s32 $0x10, s14  }
0x1d2: {  	[hbm4b:s20+s3] =	stream.linear.scatter [tilespmem:s17], [sflag:$0x7], $0x80, $0x38;
	[tilespmem:$0x16E00] =	vst v63  }
0x1d3: {  	s17 =	sadd.s32 $0x12B10, s12;
	s20 =	sadd.s32 $0x20, s14  }
0x1d4: {  	[hbm4b:s20+s3] =	stream.linear.scatter [tilespmem:s17], [sflag:$0x7], $0x80, $0x38;
	[tilespmem:$0x16E00] =	vst v63  }
0x1d5: {  	s17 =	sadd.s32 $0x12B98, s12;
	s20 =	sadd.s32 $0x30, s14  }
0x1d6: {  	[hbm4b:s20+s3] =	stream.linear.scatter [tilespmem:s17], [sflag:$0x7], $0x80, $0x38;
	[tilespmem:$0x16E00] =	vst v63  }
0x1d7: {  	s17 =	sadd.s32 $0x12C20, s12;
	s20 =	sadd.s32 $0x40, s14  }
0x1d8: {  	[hbm4b:s20+s3] =	stream.linear.scatter [tilespmem:s17], [sflag:$0x7], $0x80, $0x38;
	[tilespmem:$0x16E00] =	vst v63  }
0x1d9: {  	s17 =	sadd.s32 $0x12CA8, s12;
	s20 =	sadd.s32 $0x50, s14  }
0x1da: {  	[hbm4b:s20+s3] =	stream.linear.scatter [tilespmem:s17], [sflag:$0x7], $0x80, $0x38;
	[tilespmem:$0x16E00] =	vst v63  }
.Ltmp12:
0x1db: {  	_ = 	snop;
	(pc) =	sbr.rel @p1 .LBB2_24-.Ltmp12, $4  }
0x1dc: {  	s17 =	sadd.s32 $0x12D30, s12;
	s20 =	sadd.s32 $0x60, s14  }
0x1dd: {  	[hbm4b:s20+s3] =	stream.linear.scatter [tilespmem:s17], [sflag:$0x7], $0x80, $0x38;
	[tilespmem:$0x16E00] =	vst v63  }
0x1de: {  	s17 =	sadd.s32 $0x12DB8, s12;
	s20 =	sadd.s32 $0x70, s14  }
0x1df: {  	[hbm4b:s20+s3] =	stream.linear.scatter [tilespmem:s17], [sflag:$0x7], $0x80, $0x38;
	[tilespmem:$0x16E00] =	vst v63  }
.Ltmp13:
0x1e0: {  	(pc) =	sbr.rel .LBB2_25-.Ltmp13, $4  }
0x1e1: {  	_ = 	snop  }
0x1e2: {  	_ =	swait.ge [sflag:s31], $0x2000  }
0x1e3: {  	[sflag:s31] =	ssyncset.done $0x0  }
0x1e4: {  	[sflag:s31] =	ssyncadd.s32 $0xFFFFE000  }
.LBB2_24:
0x1e5: {  	v4 =	vld [tilespmem:s5+$0x300];
	_ =	sdelay $0x4  }
0x1e6: {  	v4 =	vxor.u32 $0xFFFFFFFF, v4  }
0x1e7: {  	[tilespmem:$0x6500] =	vst v4  }
0x1e8: {  	v4 =	vld [tilespmem:s5+$0x310];
	_ =	sdelay $0x4  }
0x1e9: {  	v4 =	vxor.u32 $0xFFFFFFFF, v4  }
0x1ea: {  	[tilespmem:$0x6510] =	vst v4  }
0x1eb: {  	v4 =	vld [tilespmem:s5+$0x320];
	_ =	sdelay $0x4  }
0x1ec: {  	v4 =	vxor.u32 $0xFFFFFFFF, v4  }
0x1ed: {  	[tilespmem:$0x6520] =	vst v4  }
0x1ee: {  	v4 =	vld [tilespmem:s5+$0x330];
	_ =	sdelay $0x4  }
0x1ef: {  	v4 =	vxor.u32 $0xFFFFFFFF, v4  }
0x1f0: {  	[tilespmem:$0x6530] =	vst v4  }
0x1f1: {  	v4 =	vld [tilespmem:s5+$0x340];
	_ =	sdelay $0x4  }
0x1f2: {  	v4 =	vxor.u32 $0xFFFFFFFF, v4  }
0x1f3: {  	[tilespmem:$0x6540] =	vst v4  }
0x1f4: {  	v4 =	vld [tilespmem:s5+$0x350];
	_ =	sdelay $0x4  }
0x1f5: {  	v4 =	vxor.u32 $0xFFFFFFFF, v4  }
0x1f6: {  	[tilespmem:$0x6550] =	vst v4  }
0x1f7: {  	v4 =	vld [tilespmem:s5+$0x360];
	_ =	sdelay $0x4  }
0x1f8: {  	v4 =	vxor.u32 $0xFFFFFFFF, v4  }
0x1f9: {  	[tilespmem:$0x6560] =	vst v4  }
0x1fa: {  	v4 =	vld [tilespmem:s5+$0x370];
	_ =	sdelay $0x4  }
0x1fb: {  	v4 =	vxor.u32 $0xFFFFFFFF, v4  }
.Ltmp14:
0x1fc: {  	[tilespmem:$0x6570] =	vst v4;
	(pc) =	sbr.rel @p0 .LBB2_26-.Ltmp14, $4  }
0x1fd: {  	[tilespmem:s19], [sflag:$0x3] =	stream.indirect.gather [hbm4b:s4+s11], $0x40, s18, s11, $0xb8;
	[tilespmem:$0x16E00] =	vst v63  }
0x1fe: {  	_ =	swait.ge [sflag:s31], $0x2000  }
0x1ff: {  	[sflag:s31] =	ssyncset.done $0x0  }
0x200: {  	[sflag:s31] =	ssyncadd.s32 $0xFFFFE000  }
.LBB2_25:
0x201: {  	_ =	swait.ge [sflag:s0], $0x2000  }
0x202: {  	[sflag:s0] =	ssyncset.done $0x0  }
0x203: {  	[sflag:s0] =	ssyncadd.s32 $0xFFFFE000  }
.LBB2_26:
0x204: {  	s12 =	simm.s32 $0x3  }
0x205: {  	v4 =	vmov s12  }
0x206: {  	s15 =	simm.s32 $0xC680;
	s14 =	simm.s32 $0x0;
	v4 =	vand.u32 $0x7F, v4  }
0x207: {  	v5 =	vld [tilespmem:s15+$0x40];
	v9 =	vmov s14;
	v6 =	vadd.s32 v0, v4  }
0x208: {  	v7 =	vld [tilespmem:s15+$0x50];
	v9 =	vand.u32 $0x7C, v9;
	v8 =	vadd.s32 v1, v4  }
0x209: {  	v13 =	vld [tilespmem:s15+$0xFFFFFF80];
	v14 =	vadd.s32 v0, v9  }
0x20a: {  	v10 =	vld [tilespmem:s15+$0x60];
	v11 =	vadd.s32 v2, v4  }
0x20b: {  	v12 =	vld [tilespmem:s15+$0x70];
	v4 =	vadd.s32 v3, v4  }
0x20c: {  	s16 =	simm.s32 $0x1;
	v15 =	vld [tilespmem:s15+$0xFFFFFF90];
	v16 =	vadd.s32 v1, v9;
	[tilespmem:v6+s1+$0x0] =	vst.idx.msk $0xffff, v5  }
0x20d: {  	v17 =	vmov s16;
	v5 =	vld [tilespmem:s15+$0xFFFFFFA0];
	v6 =	vadd.s32 v2, v9;
	[tilespmem:v8+s1+$0x0] =	vst.idx.msk $0xffff, v7  }
0x20e: {  	v7 =	vld [tilespmem:s15+$0xFFFFFFB0];
	v8 =	vadd.s32 v3, v9;
	v9 =	vand.u32 $0x7D, v17;
	[tilespmem:v14+s1+$0x0] =	vst.idx.msk $0xffff, v13  }
0x20f: {  	[tilespmem:v11+s1+$0x0] =	vst.idx.msk $0xffff, v10;
	v10 =	vld [tilespmem:s15+$0xFFFFFFC0];
	v11 =	vadd.s32 v0, v9  }
0x210: {  	v13 =	vadd.s32 v1, v9;
	[tilespmem:v4+s1+$0x0] =	vst.idx.msk $0xffff, v12;
	v12 =	vld [tilespmem:s15+$0xFFFFFFD0]  }
0x211: {  	s17 =	simm.s32 $0x2;
	[tilespmem:v16+s1+$0x0] =	vst.idx.msk $0xffff, v15  }
0x212: {  	v15 =	vld [tilespmem:s15+$0xFFFFFFE0];
	v62 =	vadd.s32 v2, v9;
	[tilespmem:v6+s1+$0x0] =	vst.idx.msk $0xffff, v5;
	v5 =	vmov s17  }
0x213: {  	v63 =	vld [tilespmem:s15+$0xFFFFFFF0];
	v18 =	vadd.s32 v3, v9;
	[tilespmem:v8+s1+$0x0] =	vst.idx.msk $0xffff, v7;
	v7 =	vand.u32 $0x7E, v5  }
0x214: {  	v4 =	vld [tilespmem:s15+$0x0];
	[tilespmem:v11+s1+$0x0] =	vst.idx.msk $0xffff, v10;
	v11 =	vadd.s32 v0, v7  }
0x215: {  	s20 =	simm.s32 $0x7;
	v5 =	vld [tilespmem:s15+$0x10];
	[tilespmem:v13+s1+$0x0] =	vst.idx.msk $0xffff, v12;
	v12 =	vadd.s32 v1, v7  }
0x216: {  	v9 =	vmov s20;
	v6 =	vld [tilespmem:s15+$0x20];
	v8 =	vadd.s32 v2, v7  }
0x217: {  	s12 =	simm.s32 $0xC780;
	v14 =	vand.u32 $0x7F, v9;
	v9 =	vld [tilespmem:s15+$0x30];
	v13 =	vadd.s32 v3, v7;
	[tilespmem:v62+s1+$0x0] =	vst.idx.msk $0xffff, v15  }
0x218: {  	s14 =	simm.s32 $0x8;
	s20 =	simm.s32 $0x4;
	v10 =	vadd.s32 v0, v14;
	v7 =	vld [tilespmem:s12+$0x40];
	[tilespmem:v18+s1+$0x0] =	vst.idx.msk $0xffff, v63  }
.LBB2_27:
0x219: {  	p0 =	slt.u32 s14, $0x7C;
	v15 =	vld [tilespmem:s12+$0x50];
	v16 =	vadd.s32 v1, v14;
	[tilespmem:v11+s1+$0x0] =	vst.idx.msk $0xffff, v4  }
0x21a: {  	v4 =	vmov s20;
	v17 =	vadd.s32 v2, v14;
	v11 =	vld [tilespmem:s12+$0x60];
	[tilespmem:v12+s1+$0x0] =	vst.idx.msk $0xffff, v5  }
0x21b: {  	v4 =	vand.u32 $0x7C, v4;
	v12 =	vadd.s32 v3, v14;
	v5 =	vld [tilespmem:s12+$0x70];
	[tilespmem:v8+s1+$0x0] =	vst.idx.msk $0xffff, v6  }
0x21c: {  	v8 =	vadd.s32 v0, v4;
	v6 =	vld [tilespmem:s12+$0xFFFFFF80];
	[tilespmem:v13+s1+$0x0] =	vst.idx.msk $0xffff, v9  }
0x21d: {  	s15 =	sadd.s32 $0x1, s20;
	v13 =	vadd.s32 v1, v4;
	v9 =	vld [tilespmem:s12+$0xFFFFFF90];
	[tilespmem:v10+s1+$0x0] =	vst.idx.msk $0xffff, v7  }
0x21e: {  	v14 =	vmov s15;
	v10 =	vadd.s32 v2, v4;
	v7 =	vld [tilespmem:s12+$0xFFFFFFA0];
	[tilespmem:v16+s1+$0x0] =	vst.idx.msk $0xffff, v15  }
0x21f: {  	v14 =	vand.u32 $0x7D, v14;
	v4 =	vadd.s32 v3, v4;
	v15 =	vld [tilespmem:s12+$0xFFFFFFB0];
	[tilespmem:v17+s1+$0x0] =	vst.idx.msk $0xffff, v11  }
0x220: {  	v17 =	vadd.s32 v0, v14;
	v16 =	vld [tilespmem:s12+$0xFFFFFFC0];
	[tilespmem:v12+s1+$0x0] =	vst.idx.msk $0xffff, v5  }
0x221: {  	s15 =	sadd.s32 $0x2, s20;
	s20 =	smov.u32 s14;
	[tilespmem:v8+s1+$0x0] =	vst.idx.msk $0xffff, v6;
	v6 =	vld [tilespmem:s12+$0xFFFFFFD0];
	v8 =	vadd.s32 v1, v14  }
0x222: {  	v5 =	vmov s15;
	[tilespmem:v13+s1+$0x0] =	vst.idx.msk $0xffff, v9;
	v9 =	vld [tilespmem:s12+$0xFFFFFFE0];
	v13 =	vadd.s32 v2, v14  }
0x223: {  	v19 =	vadd.s32 v3, v14;
	[tilespmem:v10+s1+$0x0] =	vst.idx.msk $0xffff, v7;
	v18 =	vld [tilespmem:s12+$0xFFFFFFF0];
	v7 =	vand.u32 $0x7E, v5  }
.Ltmp15:
0x224: {  	[tilespmem:v4+s1+$0x0] =	vst.idx.msk $0xffff, v15;
	v4 =	vld [tilespmem:s12+$0x0];
	v11 =	vadd.s32 v0, v7;
	(pc) =	sbr.rel @p0 .LBB2_27-.Ltmp15, $4  }
0x225: {  	s15 =	sadd.s32 $0x3, s14;
	v12 =	vadd.s32 v1, v7;
	[tilespmem:v17+s1+$0x0] =	vst.idx.msk $0xffff, v16;
	v5 =	vld [tilespmem:s12+$0x10]  }
0x226: {  	v10 =	vmov s15;
	[tilespmem:v8+s1+$0x0] =	vst.idx.msk $0xffff, v6;
	v6 =	vld [tilespmem:s12+$0x20];
	v8 =	vadd.s32 v2, v7  }
0x227: {  	v14 =	vand.u32 $0x7F, v10;
	[tilespmem:v13+s1+$0x0] =	vst.idx.msk $0xffff, v9;
	v9 =	vld [tilespmem:s12+$0x30];
	v13 =	vadd.s32 v3, v7;
	s12 =	sadd.s32 $0x100, s12  }
0x228: {  	s14 =	sadd.s32 $0x4, s14;
	v10 =	vadd.s32 v0, v14;
	v7 =	vld [tilespmem:s12+$0x40];
	[tilespmem:v19+s1+$0x0] =	vst.idx.msk $0xffff, v18  }
0x229: {  	_ =	sdelay $0x3  }
0x22a: {  	v15 =	vld [tilespmem:s12+$0x50];
	v16 =	vadd.s32 v1, v14;
	[tilespmem:v11+s1+$0x0] =	vst.idx.msk $0xffff, v4  }
0x22b: {  	v4 =	vmov s20;
	v40 =	vld [tilespmem:s12+$0x60];
	v17 =	vadd.s32 v2, v14;
	[tilespmem:v12+s1+$0x0] =	vst.idx.msk $0xffff, v5  }
0x22c: {  	v41 =	vadd.s32 v3, v14;
	v4 =	vand.u32 $0x7C, v4;
	v5 =	vld [tilespmem:s12+$0x70];
	[tilespmem:v8+s1+$0x0] =	vst.idx.msk $0xffff, v6  }
0x22d: {  	v42 =	vld [tilespmem:s12+$0xFFFFFF80];
	v43 =	vadd.s32 v0, v4;
	[tilespmem:v13+s1+$0x0] =	vst.idx.msk $0xffff, v9  }
0x22e: {  	v44 =	vld [tilespmem:s12+$0xFFFFFF90];
	s14 =	sadd.s32 $0x1, s20;
	v45 =	vadd.s32 v1, v4;
	[tilespmem:v10+s1+$0x0] =	vst.idx.msk $0xffff, v7  }
0x22f: {  	v46 =	vld [tilespmem:s12+$0xFFFFFFA0];
	v48 =	vmov s14;
	v47 =	vadd.s32 v2, v4;
	[tilespmem:v16+s1+$0x0] =	vst.idx.msk $0xffff, v15  }
0x230: {  	v49 =	vld [tilespmem:s12+$0xFFFFFFB0];
	v4 =	vadd.s32 v3, v4;
	v14 =	vand.u32 $0x7D, v48;
	[tilespmem:v17+s1+$0x0] =	vst.idx.msk $0xffff, v40  }
0x231: {  	v50 =	vld [tilespmem:s12+$0xFFFFFFC0];
	v51 =	vadd.s32 v0, v14;
	[tilespmem:v41+s1+$0x0] =	vst.idx.msk $0xffff, v5  }
0x232: {  	s20 =	sadd.s32 $0x2, s20;
	v52 =	vadd.s32 v1, v14;
	[tilespmem:v43+s1+$0x0] =	vst.idx.msk $0xffff, v42;
	v5 =	vld [tilespmem:s12+$0xFFFFFFD0]  }
0x233: {  	v53 =	vld [tilespmem:s12+$0xFFFFFFE0];
	v55 =	vmov s20;
	v54 =	vadd.s32 v2, v14;
	[tilespmem:v45+s1+$0x0] =	vst.idx.msk $0xffff, v44  }
0x234: {  	v56 =	vld [tilespmem:s12+$0xFFFFFFF0];
	v12 =	vand.u32 $0x7E, v55;
	v57 =	vadd.s32 v3, v14;
	[tilespmem:v47+s1+$0x0] =	vst.idx.msk $0xffff, v46  }
0x235: {  	v58 =	vadd.s32 v0, v12;
	[tilespmem:v4+s1+$0x0] =	vst.idx.msk $0xffff, v49;
	v4 =	vld [tilespmem:s12+$0x0]  }
0x236: {  	v59 =	vld [tilespmem:s12+$0x10];
	v60 =	vadd.s32 v1, v12;
	[tilespmem:v51+s1+$0x0] =	vst.idx.msk $0xffff, v50  }
0x237: {  	v61 =	vadd.s32 v2, v12;
	[tilespmem:v52+s1+$0x0] =	vst.idx.msk $0xffff, v5;
	v5 =	vld [tilespmem:s12+$0x20]  }
0x238: {  	v62 =	vld [tilespmem:s12+$0x30];
	v63 =	vadd.s32 v3, v12;
	[tilespmem:v54+s1+$0x0] =	vst.idx.msk $0xffff, v53  }
0x239: {  	[tilespmem:v57+s1+$0x0] =	vst.idx.msk $0xffff, v56  }
0x23a: {  	[tilespmem:v58+s1+$0x0] =	vst.idx.msk $0xffff, v4  }
0x23b: {  	[tilespmem:v60+s1+$0x0] =	vst.idx.msk $0xffff, v59  }
0x23c: {  	[tilespmem:v61+s1+$0x0] =	vst.idx.msk $0xffff, v5  }
0x23d: {  	s14 =	simm.s32 $0x14C00;
	s12 =	sadd.s32 s10, s9;
	[tilespmem:v63+s1+$0x0] =	vst.idx.msk $0xffff, v62  }
0x23e: {  	[hbm4b:s12+s3] =	stream.linear.scatter [tilespmem:s14], [sflag:$0x8], $0x80, $0x38;
	[tilespmem:$0x16E00] =	vst v63  }
0x23f: {  	s15 =	simm.s32 $0x14C88;
	s16 =	sadd.s32 $0x10, s12  }
0x240: {  	[hbm4b:s16+s3] =	stream.linear.scatter [tilespmem:s15], [sflag:$0x8], $0x80, $0x38;
	[tilespmem:$0x16E00] =	vst v63  }
0x241: {  	s17 =	simm.s32 $0x14D10;
	s10 =	simm.s32 $0x440;
	s20 =	sadd.s32 $0x20, s12  }
0x242: {  	[hbm4b:s20+s3] =	stream.linear.scatter [tilespmem:s17], [sflag:$0x8], $0x80, $0x38;
	[tilespmem:$0x16E00] =	vst v63  }
0x243: {  	s14 =	simm.s32 $0x2200;
	s15 =	simm.s32 $0x14D98;
	s16 =	sadd.s32 $0x30, s12  }
0x244: {  	[hbm4b:s16+s3] =	stream.linear.scatter [tilespmem:s15], [sflag:$0x8], $0x80, $0x38;
	[tilespmem:$0x16E00] =	vst v63  }
0x245: {  	s17 =	simm.s32 $0x14E20;
	s20 =	sadd.s32 $0x40, s12;
	s15 =	simm.s32 $0x14EA8  }
0x246: {  	[hbm4b:s20+s3] =	stream.linear.scatter [tilespmem:s17], [sflag:$0x8], $0x80, $0x38;
	[tilespmem:$0x16E00] =	vst v63  }
0x247: {  	s16 =	sadd.s32 $0x50, s12;
	s17 =	simm.s32 $0x14F30;
	s20 =	sadd.s32 $0x60, s12  }
0x248: {  	[hbm4b:s16+s3] =	stream.linear.scatter [tilespmem:s15], [sflag:$0x8], $0x80, $0x38;
	[tilespmem:$0x16E00] =	vst v63  }
0x249: {  	s15 =	simm.s32 $0x14FB8;
	s16 =	sadd.s32 $0x70, s12;
	s12 =	sadd.s32 $0x1000, s12  }
0x24a: {  	[hbm4b:s20+s3] =	stream.linear.scatter [tilespmem:s17], [sflag:$0x8], $0x80, $0x38;
	[tilespmem:$0x16E00] =	vst v63  }
.LBB2_29:
0x24b: {  	[hbm4b:s16+s3] =	stream.linear.scatter [tilespmem:s15], [sflag:$0x8], $0x80, $0x38;
	[tilespmem:$0x16E00] =	vst v63  }
0x24c: {  	s15 =	smov.u32 s10;
	s10 =	smov.u32 s14  }
0x24d: {  	s17 =	sadd.s32 $0x1100, s14;
	s10 =	sshra.s32 s10, $0x2;
	s16 =	sadd.s32 $0x14C00, s15  }
0x24e: {  	[hbm4b:s12+s3] =	stream.linear.scatter [tilespmem:s16], [sflag:$0x8], $0x80, $0x38;
	[tilespmem:$0x16E00] =	vst v63  }
0x24f: {  	p0 =	sne.s32 s14, $0x7700;
	s14 =	sadd.s32 $0x14C88, s15;
	s16 =	sadd.s32 $0x10, s12  }
0x250: {  	[hbm4b:s16+s3] =	stream.linear.scatter [tilespmem:s14], [sflag:$0x8], $0x80, $0x38;
	[tilespmem:$0x16E00] =	vst v63  }
0x251: {  	s14 =	sadd.s32 $0x14D10, s15;
	s16 =	sadd.s32 $0x20, s12  }
0x252: {  	[hbm4b:s16+s3] =	stream.linear.scatter [tilespmem:s14], [sflag:$0x8], $0x80, $0x38;
	[tilespmem:$0x16E00] =	vst v63  }
0x253: {  	s14 =	sadd.s32 $0x14D98, s15;
	s16 =	sadd.s32 $0x30, s12  }
0x254: {  	[hbm4b:s16+s3] =	stream.linear.scatter [tilespmem:s14], [sflag:$0x8], $0x80, $0x38;
	[tilespmem:$0x16E00] =	vst v63  }
0x255: {  	s14 =	sadd.s32 $0x14E20, s15;
	s16 =	sadd.s32 $0x40, s12  }
0x256: {  	[hbm4b:s16+s3] =	stream.linear.scatter [tilespmem:s14], [sflag:$0x8], $0x80, $0x38;
	[tilespmem:$0x16E00] =	vst v63  }
.Ltmp16:
0x257: {  	s14 =	sadd.s32 $0x14EA8, s15;
	s16 =	sadd.s32 $0x50, s12;
	(pc) =	sbr.rel @p0 .LBB2_29-.Ltmp16, $4  }
0x258: {  	[hbm4b:s16+s3] =	stream.linear.scatter [tilespmem:s14], [sflag:$0x8], $0x80, $0x38;
	[tilespmem:$0x16E00] =	vst v63  }
0x259: {  	s14 =	sadd.s32 $0x14F30, s15;
	s16 =	sadd.s32 $0x60, s12;
	s15 =	sadd.s32 $0x14FB8, s15  }
0x25a: {  	[hbm4b:s16+s3] =	stream.linear.scatter [tilespmem:s14], [sflag:$0x8], $0x80, $0x38;
	[tilespmem:$0x16E00] =	vst v63  }
0x25b: {  	s16 =	sadd.s32 $0x70, s12;
	s12 =	sadd.s32 $0x1000, s12;
	s14 =	smov.u32 s17  }
0x25c: {  	[hbm4b:s16+s3] =	stream.linear.scatter [tilespmem:s15], [sflag:$0x8], $0x80, $0x38;
	[tilespmem:$0x16E00] =	vst v63  }
0x25d: {  	s14 =	sadd.s32 $0x14C00, s10  }
0x25e: {  	[hbm4b:s12+s3] =	stream.linear.scatter [tilespmem:s14], [sflag:$0x8], $0x80, $0x38;
	[tilespmem:$0x16E00] =	vst v63  }
0x25f: {  	s17 =	sadd.s32 $0x14C88, s10;
	s20 =	sadd.s32 $0x10, s12  }
0x260: {  	[hbm4b:s20+s3] =	stream.linear.scatter [tilespmem:s17], [sflag:$0x8], $0x80, $0x38;
	[tilespmem:$0x16E00] =	vst v63  }
0x261: {  	s15 =	sadd.s32 $0x14D10, s10;
	s16 =	sadd.s32 $0x20, s12  }
0x262: {  	[hbm4b:s16+s3] =	stream.linear.scatter [tilespmem:s15], [sflag:$0x8], $0x80, $0x38;
	[tilespmem:$0x16E00] =	vst v63  }
0x263: {  	s17 =	sadd.s32 $0x14D98, s10;
	s20 =	sadd.s32 $0x30, s12  }
0x264: {  	[hbm4b:s20+s3] =	stream.linear.scatter [tilespmem:s17], [sflag:$0x8], $0x80, $0x38;
	[tilespmem:$0x16E00] =	vst v63  }
0x265: {  	s15 =	sadd.s32 $0x14E20, s10;
	s16 =	sadd.s32 $0x40, s12  }
0x266: {  	[hbm4b:s16+s3] =	stream.linear.scatter [tilespmem:s15], [sflag:$0x8], $0x80, $0x38;
	[tilespmem:$0x16E00] =	vst v63  }
0x267: {  	s17 =	sadd.s32 $0x14EA8, s10;
	s20 =	sadd.s32 $0x50, s12  }
0x268: {  	[hbm4b:s20+s3] =	stream.linear.scatter [tilespmem:s17], [sflag:$0x8], $0x80, $0x38;
	[tilespmem:$0x16E00] =	vst v63  }
0x269: {  	s15 =	sadd.s32 $0x14F30, s10;
	s16 =	sadd.s32 $0x60, s12  }
0x26a: {  	[hbm4b:s16+s3] =	stream.linear.scatter [tilespmem:s15], [sflag:$0x8], $0x80, $0x38;
	[tilespmem:$0x16E00] =	vst v63  }
0x26b: {  	p0 =	seq.s32 s21, $0x31;
	s17 =	sadd.s32 $0x14FB8, s10;
	s20 =	sadd.s32 $0x70, s12  }
0x26c: {  	[hbm4b:s20+s3] =	stream.linear.scatter [tilespmem:s17], [sflag:$0x8], $0x80, $0x38;
	[tilespmem:$0x16E00] =	vst v63  }
0x26d: {  	v4 =	vld @!p0 [tilespmem:s5+$0x380];
	_ =	sdelay $0x4  }
0x26e: {  	v4 =	vxor.u32 @!p0 $0xFFFFFFFF, v4  }
0x26f: {  	[tilespmem:$0x6580] =	vst @!p0 v4  }
0x270: {  	v4 =	vld @!p0 [tilespmem:s5+$0x390];
	_ =	sdelay $0x4  }
0x271: {  	v4 =	vxor.u32 @!p0 $0xFFFFFFFF, v4  }
0x272: {  	[tilespmem:$0x6590] =	vst @!p0 v4  }
0x273: {  	v4 =	vld @!p0 [tilespmem:s5+$0x3A0];
	_ =	sdelay $0x4  }
0x274: {  	v4 =	vxor.u32 @!p0 $0xFFFFFFFF, v4  }
0x275: {  	[tilespmem:$0x65A0] =	vst @!p0 v4  }
0x276: {  	v4 =	vld @!p0 [tilespmem:s5+$0x3B0];
	_ =	sdelay $0x4  }
0x277: {  	v4 =	vxor.u32 @!p0 $0xFFFFFFFF, v4  }
0x278: {  	[tilespmem:$0x65B0] =	vst @!p0 v4  }
0x279: {  	v4 =	vld @!p0 [tilespmem:s5+$0x3C0];
	_ =	sdelay $0x4  }
0x27a: {  	v4 =	vxor.u32 @!p0 $0xFFFFFFFF, v4  }
0x27b: {  	[tilespmem:$0x65C0] =	vst @!p0 v4  }
0x27c: {  	v4 =	vld @!p0 [tilespmem:s5+$0x3D0];
	_ =	sdelay $0x4  }
0x27d: {  	v4 =	vxor.u32 @!p0 $0xFFFFFFFF, v4  }
0x27e: {  	[tilespmem:$0x65D0] =	vst @!p0 v4  }
0x27f: {  	v4 =	vld @!p0 [tilespmem:s5+$0x3E0];
	_ =	sdelay $0x4  }
0x280: {  	v4 =	vxor.u32 @!p0 $0xFFFFFFFF, v4  }
0x281: {  	[tilespmem:$0x65E0] =	vst @!p0 v4  }
0x282: {  	v4 =	vld @!p0 [tilespmem:s5+$0x3F0];
	_ =	sdelay $0x4  }
0x283: {  	p1 =	sne.s32 @!p0 s13, $0x32;
	v4 =	vxor.u32 @!p0 $0xFFFFFFFF, v4  }
0x284: {  	s10 =	simm.s32 @!p0 $0x6580;
	s12 =	simm.s32 @!p0 $0xC600;
	s5 =	simm.s32 @!p0 $0x80;
	[tilespmem:$0x65F0] =	vst @!p0 v4  }
0x285: {  	[tilespmem:s12], [sflag:$0x4] =	stream.indirect.gather @!p0 [hbm4b:s4+s5], $0x40, s10, s5, $0xb8;
	[tilespmem:$0x16E00] =	vst v63  }
0x286: {  	p0 =	por p0, !p1  }
.Ltmp17:
0x287: {  	_ = 	snop;
	(pc) =	sbr.rel @!p0 .LBB2_2-.Ltmp17, $2  }
0x288: {  	_ =	sdelay $0x2  }
0x289: {  	s21 =	smov.u32 s13  }
0x28a: {  	s5 =	simm.s32 $0x5  }
0x28b: {  	_ =	swait.ge [sflag:s5], $0x2000  }
0x28c: {  	[sflag:s5] =	ssyncset.done $0x0  }
0x28d: {  	[sflag:s5] =	ssyncadd.s32 $0xFFFFE000  }
0x28e: {  	_ =	swait.ge [sflag:s25], $0x2000  }
0x28f: {  	[sflag:s25] =	ssyncset.done $0x0  }
0x290: {  	[sflag:s25] =	ssyncadd.s32 $0xFFFFE000  }
0x291: {  	_ =	swait.ge [sflag:s29], $0x2000  }
0x292: {  	[sflag:s29] =	ssyncset.done $0x0  }
0x293: {  	[sflag:s29] =	ssyncadd.s32 $0xFFFFE000  }
0x294: {  	_ =	swait.ge [sflag:s0], $0x2000  }
0x295: {  	s10 =	rddreg [dreg:$0x5]  }
0x296: {  	s21 =	rddreg [dreg:$0x4];
	s10 =	sadd.s32 $0x1, s10  }
0x297: {  	p0 =	sne.s32 s10, s21  }
.Ltmp18:
0x298: {  	_ = 	snop;
	(pc) =	sbr.rel @p0 .LBB2_1-.Ltmp18, $3  }
0x299: {  	_ =	sdelay $0x1  }
0x29a: {  	[sflag:s0] =	ssyncset.done $0x0  }
0x29b: {  	[sflag:s0] =	ssyncadd.s32 $0xFFFFE000  }
0x29c: {  	_ =	sfence.sel $0x180000  }
0x29d: {  	[bflag:$0x0] =	sbarrier.arrive $0xFFFF  }
0x29e: {  	_ =	strace $0x90000047  }
0x29f: {  	s0 =	stileid.u32;
	[bflag:$0x2] =	sbarrier.arrive $0xFFFF  }
0x2a0: {  	p0 =	sne.s32 s0, $0x0;
	s0 =	rddreg [dreg:$0x2]  }
0x2a1: {  	s0 =	sadd.s32 @!p0 $0x100000, s0  }
0x2a2: {  	[sflag:s0] =	ssyncadd.tile.s32 @!p0 $0x1;
	_ =	shalt  }
.Lfunc_end2:
_tile_overlayer_lowered:
.L_overlay_start_2:
0x2a3: {  	(tag) =	ssettag $0x2  }
0x2a4: {  	s0 =	rddreg [dreg:$0x0];
	s2 =	stileid.u32  }
0x2a5: {  	s1 =	rddreg [dreg:$0x1];
	p0 =	sne.s32 s2, $0x0  }
0x2a6: {  	s3 =	rddreg [dreg:$0x2];
	[bflag:$0x3] =	sbarrier.arrive $0xFFFF;
	s2 =	simm.s32 @!p0 $0x1C09  }
0x2a7: {  	[timem:s3], [sflag:s2] =	dma.local @!p0 [hbm:s0], s1  }
0x2a8: {  	s0 =	simm.s32 @!p0 $0x9  }
0x2a9: {  	_ =	swait.ge @!p0 [sflag:s0], s1  }
0x2aa: {  	s1 =	ssub.s32 @!p0 $0x0, s1;
	[sflag:s0] =	ssyncset.done @!p0 $0x0  }
0x2ab: {  	[sflag:s0] =	ssyncadd.s32 @!p0 s1  }
0x2ac: {  	[bflag:$0x3] =	sbarrier.arrive $0xFFFF  }
0x2ad: {  	_ =	shalt  }

</sc_bundles>
